<compile_context>
chip_gen: v7x
topology: tpu7x:2x2x1
jax: 0.10.2.dev20260603
libtpu: 0.0.44.dev20260713+nightly
codegen_flags: <defaults>
</compile_context>

<pallas_src>
import functools

import jax
import jax.numpy as jnp
from jax import lax
from jax.experimental import pallas as pl
from jax.experimental.pallas import tpu as pltpu
from jax.experimental.pallas import tpu_sc as plsc

D = 18432
B = 4096
NCORES = 2
NSUB = 16
NW = NCORES * NSUB
E_PER_W = B // NW
BATCH = 32
SEQ = 128


def _sc_gather(sidx2d, spos2d, firstf, table):
    mesh = plsc.VectorSubcoreMesh(core_axis_name="c", subcore_axis_name="s")

    @functools.partial(
        pl.kernel,
        out_type=jax.ShapeDtypeStruct((B, D), jnp.float32),
        mesh=mesh,
        scratch_types=[
            pltpu.VMEM((E_PER_W, 1), jnp.int32),
            pltpu.VMEM((E_PER_W, 1), jnp.int32),
            pltpu.VMEM((E_PER_W,), jnp.int32),
            pltpu.VMEM((2, 1, D), jnp.float32),
            pltpu.SemaphoreType.DMA,
            pltpu.SemaphoreType.DMA,
            pltpu.SemaphoreType.DMA,
        ],
        compiler_params=pltpu.CompilerParams(needs_layout_passes=False),
    )
    def k(sidx_hbm, spos_hbm, first_hbm, table_hbm, out_hbm,
          idx_v, pos_v, flag_v, buf, gsem, ssem0, ssem1):
        wid = lax.axis_index("s") * NCORES + lax.axis_index("c")
        base = wid * E_PER_W

        pltpu.sync_copy(sidx_hbm.at[pl.ds(base, E_PER_W)], idx_v)
        pltpu.sync_copy(spos_hbm.at[pl.ds(base, E_PER_W)], pos_v)
        pltpu.sync_copy(first_hbm.at[pl.ds(base, E_PER_W)], flag_v)

        lanes = lax.iota(jnp.int32, 16)
        ssems = (ssem0, ssem1)

        def write(s, e):
            return pltpu.make_async_copy(
                buf.at[s], out_hbm.at[pos_v.at[e]], ssems[s])

        def drain(s, cnt):
            lax.fori_loop(0, cnt, lambda i, c: (write(s, 0).wait(), c)[1], 0)

        def step(e, carry):
            slot, cnt0, cnt1 = carry
            group = flag_v[pl.ds((e // 16) * 16, 16)]
            is_new = jnp.logical_or(
                jnp.any(jnp.logical_and(group != 0, lanes == e % 16)),
                e == 0)
            nslot = jnp.where(is_new, 1 - slot, slot)

            for s in (0, 1):
                @pl.when(jnp.logical_and(is_new, nslot == s))
                def _():
                    drain(s, cnt0 if s == 0 else cnt1)
                    pltpu.async_copy(
                        table_hbm.at[idx_v.at[e]], buf.at[s], gsem).wait()

            for s in (0, 1):
                @pl.when(nslot == s)
                def _():
                    write(s, e).start()

            on0 = (nslot == 0).astype(jnp.int32)
            ncnt0 = jnp.where(jnp.logical_and(is_new, nslot == 0),
                              jnp.int32(0), cnt0) + on0
            ncnt1 = jnp.where(jnp.logical_and(is_new, nslot == 1),
                              jnp.int32(0), cnt1) + (1 - on0)
            return nslot, ncnt0, ncnt1

        _, cnt0, cnt1 = lax.fori_loop(
            0, E_PER_W, step,
            (jnp.int32(1), jnp.int32(0), jnp.int32(0)))
        drain(0, cnt0)
        drain(1, cnt1)

    return k(sidx2d, spos2d, firstf, table)


def kernel(prefix, embedding):
    flat = prefix.reshape(B).astype(jnp.uint32)
    pos = lax.iota(jnp.uint32, B)
    key = jnp.sort((flat << jnp.uint32(12)) | pos)
    sidx = (key >> jnp.uint32(12)).astype(jnp.int32)
    spos = (key & jnp.uint32(4095)).astype(jnp.int32)
    firstf = jnp.concatenate(
        [jnp.ones((1,), jnp.int32),
         (sidx[1:] != sidx[:-1]).astype(jnp.int32)])
    out = _sc_gather(sidx.reshape(B, 1), spos.reshape(B, 1), firstf,
                     embedding)
    return out.reshape(BATCH, SEQ, D)

# --- scband reference (transcript-rebuilt; emitter-appended) ---
"""Pipeline reference for scband-prefix-encoder-53283364274662 (READ-ONLY COPY).

The authoritative reference and input builder live on the scoring server;
editing this copy changes nothing except your own understanding.
"""

import jax, jax.numpy as jnp
import numpy as np

PREFIX_LEN = 1024
HIDDEN = 768
NUM_LAYERS = 12
EMB_DIM = NUM_LAYERS * 2 * HIDDEN  # 18432
BATCH = 32
SEQ = 128


def setup_inputs(seed: int = 0) -> dict:
    key = jax.random.key(seed)
    k1, k2 = jax.random.split(key)
    prefix = jax.random.randint(k1, (BATCH, SEQ), 0, PREFIX_LEN, dtype=jnp.int32)
    # Learned parameter: embedding table of shape [prefix_len, 2*layers*hidden]
    embedding = jax.random.normal(k2, (PREFIX_LEN, EMB_DIM), dtype=jnp.float32) * 0.02
    return {"prefix": prefix, "embedding": embedding}


def reference(prefix, embedding):
    # prefix_projection=False branch: past_key_values = self.embedding(prefix)
    past_key_values = jnp.take(embedding, prefix, axis=0)
    return past_key_values

if __name__ == "__main__":
    import jax
    _d = setup_inputs()
    print(jax.jit(kernel)(*tuple(_d.values())))

</pallas_src>

<mosaic_0001>
#map = affine_map<(d0, d1) -> (0, 0)>
#map1 = affine_map<(d0, d1) -> (0)>
module attributes {stable_mosaic.version = 14 : i64} {
  func.func @k(%arg0: i32, %arg1: i32, %arg2: memref<4096x1xi32, #tpu.memory_space<hbm>>, %arg3: memref<4096x1xi32, #tpu.memory_space<hbm>>, %arg4: memref<4096xi32, #tpu.memory_space<hbm>>, %arg5: memref<1024x18432xf32, #tpu.memory_space<hbm>>, %arg6: memref<4096x18432xf32, #tpu.memory_space<hbm>>, %arg7: memref<128x1xi32, #tpu.memory_space<vmem>>, %arg8: memref<128x1xi32, #tpu.memory_space<vmem>>, %arg9: memref<128xi32, #tpu.memory_space<vmem>>, %arg10: memref<2x1x18432xf32, #tpu.memory_space<vmem>>, %arg11: memref<!tpu.dma_semaphore, #tpu.memory_space<semaphore_mem>>, %arg12: memref<!tpu.dma_semaphore, #tpu.memory_space<semaphore_mem>>, %arg13: memref<!tpu.dma_semaphore, #tpu.memory_space<semaphore_mem>>) attributes {dimension_semantics = [#tpu.dimension_semantics<core_parallel>, #tpu.dimension_semantics<subcore_parallel>], iteration_bounds = array<i64: 2, 16>, scalar_prefetch = 0 : i64, scratch_operands = 7 : i64, tpu.core_type = #tpu.core_type<sc_vector_subcore>, window_params = [{transform_indices = #map}, {transform_indices = #map}, {transform_indices = #map1}, {transform_indices = #map}, {transform_indices = #map}]} {
    %mul3A = arith.constant 2 : i32
    %mul3A_0 = arith.muli %arg1, %mul3A : i32
    %add3A = arith.addi %mul3A_0, %arg0 : i32
    %mul3A_1 = arith.constant 128 : i32
    %mul3A_2 = arith.muli %add3A, %mul3A_1 : i32
    "tpu.region"() ({
      %run_scoped3A = tpu.sem_alloc : memref<!tpu.dma_semaphore, #tpu.memory_space<semaphore_mem>>
      %dma_start3A = arith.constant 0 : i32
      %dma_start3A_30 = tpu.memref_slice %arg2[%mul3A_2, %dma_start3A] : memref<4096x1xi32, #tpu.memory_space<hbm>> -> memref<128x1xi32, #tpu.memory_space<hbm>>
      %dma_start3A_31 = arith.constant 0 : i32
      %dma_start3A_32 = tpu.memref_slice %arg2[%mul3A_2, %dma_start3A_31] : memref<4096x1xi32, #tpu.memory_space<hbm>> -> memref<128x1xi32, #tpu.memory_space<hbm>>
      tpu.enqueue_dma source(%dma_start3A_32 : memref<128x1xi32, #tpu.memory_space<hbm>>) target(%arg7 : memref<128x1xi32, #tpu.memory_space<vmem>>) target_semaphore(%run_scoped3A : memref<!tpu.dma_semaphore, #tpu.memory_space<semaphore_mem>>)
      %dma_wait3A = arith.constant 0 : i32
      %dma_wait3A_33 = tpu.memref_slice %arg2[%mul3A_2, %dma_wait3A] : memref<4096x1xi32, #tpu.memory_space<hbm>> -> memref<128x1xi32, #tpu.memory_space<hbm>>
      %dma_wait3A_34 = arith.constant 0 : i32
      %dma_wait3A_35 = tpu.memref_slice %arg2[%mul3A_2, %dma_wait3A_34] : memref<4096x1xi32, #tpu.memory_space<hbm>> -> memref<128x1xi32, #tpu.memory_space<hbm>>
      tpu.wait_dma2 semaphore(%run_scoped3A : memref<!tpu.dma_semaphore, #tpu.memory_space<semaphore_mem>>) src(%dma_wait3A_35 : memref<128x1xi32, #tpu.memory_space<hbm>>) dst(%arg7 : memref<128x1xi32, #tpu.memory_space<vmem>>)
      tpu.yield
    }) : () -> ()
    "tpu.region"() ({
      %run_scoped3A = tpu.sem_alloc : memref<!tpu.dma_semaphore, #tpu.memory_space<semaphore_mem>>
      %dma_start3A = arith.constant 0 : i32
      %dma_start3A_30 = tpu.memref_slice %arg3[%mul3A_2, %dma_start3A] : memref<4096x1xi32, #tpu.memory_space<hbm>> -> memref<128x1xi32, #tpu.memory_space<hbm>>
      %dma_start3A_31 = arith.constant 0 : i32
      %dma_start3A_32 = tpu.memref_slice %arg3[%mul3A_2, %dma_start3A_31] : memref<4096x1xi32, #tpu.memory_space<hbm>> -> memref<128x1xi32, #tpu.memory_space<hbm>>
      tpu.enqueue_dma source(%dma_start3A_32 : memref<128x1xi32, #tpu.memory_space<hbm>>) target(%arg8 : memref<128x1xi32, #tpu.memory_space<vmem>>) target_semaphore(%run_scoped3A : memref<!tpu.dma_semaphore, #tpu.memory_space<semaphore_mem>>)
      %dma_wait3A = arith.constant 0 : i32
      %dma_wait3A_33 = tpu.memref_slice %arg3[%mul3A_2, %dma_wait3A] : memref<4096x1xi32, #tpu.memory_space<hbm>> -> memref<128x1xi32, #tpu.memory_space<hbm>>
      %dma_wait3A_34 = arith.constant 0 : i32
      %dma_wait3A_35 = tpu.memref_slice %arg3[%mul3A_2, %dma_wait3A_34] : memref<4096x1xi32, #tpu.memory_space<hbm>> -> memref<128x1xi32, #tpu.memory_space<hbm>>
      tpu.wait_dma2 semaphore(%run_scoped3A : memref<!tpu.dma_semaphore, #tpu.memory_space<semaphore_mem>>) src(%dma_wait3A_35 : memref<128x1xi32, #tpu.memory_space<hbm>>) dst(%arg8 : memref<128x1xi32, #tpu.memory_space<vmem>>)
      tpu.yield
    }) : () -> ()
    "tpu.region"() ({
      %run_scoped3A = tpu.sem_alloc : memref<!tpu.dma_semaphore, #tpu.memory_space<semaphore_mem>>
      %dma_start3A = tpu.memref_slice %arg4[%mul3A_2] : memref<4096xi32, #tpu.memory_space<hbm>> -> memref<128xi32, #tpu.memory_space<hbm>>
      %dma_start3A_30 = tpu.memref_slice %arg4[%mul3A_2] : memref<4096xi32, #tpu.memory_space<hbm>> -> memref<128xi32, #tpu.memory_space<hbm>>
      tpu.enqueue_dma source(%dma_start3A_30 : memref<128xi32, #tpu.memory_space<hbm>>) target(%arg9 : memref<128xi32, #tpu.memory_space<vmem>>) target_semaphore(%run_scoped3A : memref<!tpu.dma_semaphore, #tpu.memory_space<semaphore_mem>>)
      %dma_wait3A = tpu.memref_slice %arg4[%mul3A_2] : memref<4096xi32, #tpu.memory_space<hbm>> -> memref<128xi32, #tpu.memory_space<hbm>>
      %dma_wait3A_31 = tpu.memref_slice %arg4[%mul3A_2] : memref<4096xi32, #tpu.memory_space<hbm>> -> memref<128xi32, #tpu.memory_space<hbm>>
      tpu.wait_dma2 semaphore(%run_scoped3A : memref<!tpu.dma_semaphore, #tpu.memory_space<semaphore_mem>>) src(%dma_wait3A_31 : memref<128xi32, #tpu.memory_space<hbm>>) dst(%arg9 : memref<128xi32, #tpu.memory_space<vmem>>)
      tpu.yield
    }) : () -> ()
    %iota3A = tpu.iota {dimensions = array<i32: 0>} : vector<16xi32>
    %scan3A = arith.constant 1 : i32
    %scan3A_3 = arith.constant 0 : i32
    %scan3A_4 = arith.constant 0 : i32
    %scan3A_5 = arith.constant 0 : i32
    %scan3A_6 = arith.constant 128 : i32
    %scan3A_7 = arith.addi %scan3A_5, %scan3A_6 : i32
    %scan3A_8 = arith.constant 1 : i32
    %scan3A_9:3 = scf.for %scan3A_30 = %scan3A_5 to %scan3A_7 step %scan3A_8 iter_args(%scan3A_31 = %scan3A, %scan3A_32 = %scan3A_3, %scan3A_33 = %scan3A_4) -> (i32, i32, i32)  : i32 {
      %jit3A = arith.constant 16 : i32
      %div3A = arith.divsi %scan3A_30, %jit3A : i32
      %sign3A = arith.constant 0 : i32
      %sign3A_34 = arith.cmpi sgt, %scan3A_30, %sign3A : i32
      %sign3A_35 = arith.extui %sign3A_34 : i1 to i32
      %sign3A_36 = arith.constant 0 : i32
      %sign3A_37 = arith.cmpi slt, %scan3A_30, %sign3A_36 : i32
      %sign3A_38 = arith.extui %sign3A_37 : i1 to i32
      %sign3A_39 = arith.subi %sign3A_35, %sign3A_38 : i32
      %sign3A_40 = arith.constant 0 : i32
      %sign3A_41 = arith.cmpi sgt, %jit3A, %sign3A_40 : i32
      %sign3A_42 = arith.extui %sign3A_41 : i1 to i32
      %sign3A_43 = arith.constant 0 : i32
      %sign3A_44 = arith.cmpi slt, %jit3A, %sign3A_43 : i32
      %sign3A_45 = arith.extui %sign3A_44 : i1 to i32
      %sign3A_46 = arith.subi %sign3A_42, %sign3A_45 : i32
      %ne3A = arith.cmpi ne, %sign3A_39, %sign3A_46 : i32
      %rem3A = arith.remsi %scan3A_30, %jit3A : i32
      %ne3A_47 = arith.constant 0 : i32
      %ne3A_48 = arith.cmpi ne, %rem3A, %ne3A_47 : i32
      %and3A = arith.andi %ne3A, %ne3A_48 : i1
      %sub3A = arith.constant 1 : i32
      %sub3A_49 = arith.subi %div3A, %sub3A : i32
      %select_n3A = arith.select %and3A, %sub3A_49, %div3A : i32
      %mul3A_50 = arith.constant 16 : i32
      %mul3A_51 = arith.muli %select_n3A, %mul3A_50 : i32
      %get3A = arith.index_cast %mul3A_51 : i32 to index
      %get3A_52 = tpu.vector_load %arg9[%get3A] {strides = array<i32>} : memref<128xi32, #tpu.memory_space<vmem>>, vector<16xi32>,
      %ne3A_53 = arith.constant 0 : i32
      %ne3A_54 = vector.broadcast %ne3A_53 : i32 to vector<16xi32>
      %ne3A_55 = arith.cmpi ne, %get3A_52, %ne3A_54 : vector<16xi32>
      %jit3A_56 = arith.constant 16 : i32
      %eq3A = arith.constant 0 : i32
      %eq3A_57 = arith.cmpi eq, %jit3A_56, %eq3A : i32
      %jit3A_58 = arith.constant 1 : i32
      %select_n3A_59 = arith.select %eq3A_57, %jit3A_58, %jit3A_56 : i32
      %rem3A_60 = arith.remsi %scan3A_30, %select_n3A_59 : i32
      %ne3A_61 = arith.constant 0 : i32
      %ne3A_62 = arith.cmpi ne, %rem3A_60, %ne3A_61 : i32
      %lt3A = arith.constant 0 : i32
      %lt3A_63 = arith.cmpi slt, %rem3A_60, %lt3A : i32
      %lt3A_64 = arith.constant 0 : i32
      %lt3A_65 = arith.cmpi slt, %select_n3A_59, %lt3A_64 : i32
      %ne3A_66 = arith.xori %lt3A_63, %lt3A_65 : i1
      %and3A_67 = arith.andi %ne3A_66, %ne3A_62 : i1
      %add3A_68 = arith.addi %rem3A_60, %select_n3A_59 : i32
      %select_n3A_69 = arith.select %and3A_67, %add3A_68, %rem3A_60 : i32
      %eq3A_70 = vector.broadcast %select_n3A_69 : i32 to vector<16xi32>
      %eq3A_71 = arith.cmpi eq, %iota3A, %eq3A_70 : vector<16xi32>
      %and3A_72 = arith.andi %ne3A_55, %eq3A_71 : vector<16xi1>
      %reduce_or3A = arith.constant 1.000000e+00 : f32
      %reduce_or3A_73 = arith.constant 0.000000e+00 : f32
      %reduce_or3A_74 = vector.broadcast %reduce_or3A : f32 to vector<16xf32>
      %reduce_or3A_75 = vector.broadcast %reduce_or3A_73 : f32 to vector<16xf32>
      %reduce_or3A_76 = arith.select %and3A_72, %reduce_or3A_74, %reduce_or3A_75 : vector<16xi1>, vector<16xf32>
      %reduce_or3A_77 = arith.constant true
      %reduce_or3A_78 = vector.broadcast %reduce_or3A_77 : i1 to vector<16xi1>
      %reduce_or3A_79 = tpu.scan <max>, %reduce_or3A_76 masked %reduce_or3A_78 : vector<16xf32>, vector<16xi1> -> vector<16xf32>
      %reduce_or3A_80 = vector.extract %reduce_or3A_79[15] : f32 from vector<16xf32>
      %reduce_or3A_81 = arith.constant 0.000000e+00 : f32
      %reduce_or3A_82 = arith.cmpf ogt, %reduce_or3A_80, %reduce_or3A_81 : f32
      %eq3A_83 = arith.constant 0 : i32
      %eq3A_84 = arith.cmpi eq, %scan3A_30, %eq3A_83 : i32
      %or3A = arith.ori %reduce_or3A_82, %eq3A_84 : i1
      %sub3A_85 = arith.constant 1 : i32
      %sub3A_86 = arith.subi %sub3A_85, %scan3A_31 : i32
      %select_n3A_87 = arith.select %or3A, %sub3A_86, %scan3A_31 : i32
      %eq3A_88 = arith.constant 0 : i32
      %eq3A_89 = arith.cmpi eq, %select_n3A_87, %eq3A_88 : i32
      %and3A_90 = arith.andi %or3A, %eq3A_89 : i1
      %convert_element_type3A = arith.extui %and3A_90 : i1 to i32
      %cond3A = arith.constant 0 : i32
      %cond3A_91 = arith.cmpi ne, %convert_element_type3A, %cond3A : i32
      scf.if %cond3A_91 {
        %while3A_125 = arith.constant 0 : i32
        %while3A_126 = arith.constant 0 : i32
        %while3A_127 = arith.subi %scan3A_32, %while3A_126 : i32
        %while3A_128 = arith.addi %while3A_126, %while3A_127 : i32
        %while3A_129 = arith.constant 1 : i32
        %while3A_130 = arith.divsi %while3A_127, %while3A_129 : i32
        %while3A_131 = arith.muli %while3A_130, %while3A_129 : i32
        %while3A_132 = arith.addi %while3A_126, %while3A_131 : i32
        %while3A_133 = arith.constant 1 : i32
        scf.for %while3A_155 = %while3A_126 to %while3A_132 step %while3A_133  : i32 {
          %dma_wait3A_156 = arith.constant 0 : i32
          %dma_wait3A_157 = arith.constant 0 : i32
          %dma_wait3A_158 = arith.constant 0 : i32
          %dma_wait3A_159 = arith.constant 0 : i32
          %dma_wait3A_160 = tpu.memref_slice %arg10[%dma_wait3A_156, %dma_wait3A_158, %dma_wait3A_159] : memref<2x1x18432xf32, #tpu.memory_space<vmem>> -> memref<1x1x18432xf32, #tpu.memory_space<vmem>>
          %dma_wait3A_161 = tpu.memref_squeeze %dma_wait3A_160 : memref<1x1x18432xf32, #tpu.memory_space<vmem>> -> memref<1x18432xf32, #tpu.memory_space<vmem>>
          %dma_wait3A_162 = arith.constant 0 : i32
          %dma_wait3A_163 = tpu.memref_slice %arg8[%dma_wait3A_157, %dma_wait3A_162] : memref<128x1xi32, #tpu.memory_space<vmem>> -> memref<1x1xi32, #tpu.memory_space<vmem>>
          %dma_wait3A_164 = tpu.memref_squeeze %dma_wait3A_163 : memref<1x1xi32, #tpu.memory_space<vmem>> -> memref<1xi32, #tpu.memory_space<vmem>>
          %dma_wait3A_165 = arith.constant 0 : i32
          %dma_wait3A_166 = arith.constant 0 : i32
          %dma_wait3A_167 = tpu.memref_slice %arg6[%dma_wait3A_165, %dma_wait3A_166] : memref<4096x18432xf32, #tpu.memory_space<hbm>> -> memref<4096x18432xf32, #tpu.memory_space<hbm>>
          tpu.wait_indirect_dma semaphore(%arg12 : memref<!tpu.dma_semaphore, #tpu.memory_space<semaphore_mem>>) src(%dma_wait3A_161 : memref<1x18432xf32, #tpu.memory_space<vmem>>) dst(%dma_wait3A_167 : memref<4096x18432xf32, #tpu.memory_space<hbm>>)
        }
        %while3A_134 = arith.constant 1 : i32
        scf.for %while3A_155 = %while3A_132 to %while3A_128 step %while3A_134  : i32 {
          %dma_wait3A_156 = arith.constant 0 : i32
          %dma_wait3A_157 = arith.constant 0 : i32
          %dma_wait3A_158 = arith.constant 0 : i32
          %dma_wait3A_159 = arith.constant 0 : i32
          %dma_wait3A_160 = tpu.memref_slice %arg10[%dma_wait3A_156, %dma_wait3A_158, %dma_wait3A_159] : memref<2x1x18432xf32, #tpu.memory_space<vmem>> -> memref<1x1x18432xf32, #tpu.memory_space<vmem>>
          %dma_wait3A_161 = tpu.memref_squeeze %dma_wait3A_160 : memref<1x1x18432xf32, #tpu.memory_space<vmem>> -> memref<1x18432xf32, #tpu.memory_space<vmem>>
          %dma_wait3A_162 = arith.constant 0 : i32
          %dma_wait3A_163 = tpu.memref_slice %arg8[%dma_wait3A_157, %dma_wait3A_162] : memref<128x1xi32, #tpu.memory_space<vmem>> -> memref<1x1xi32, #tpu.memory_space<vmem>>
          %dma_wait3A_164 = tpu.memref_squeeze %dma_wait3A_163 : memref<1x1xi32, #tpu.memory_space<vmem>> -> memref<1xi32, #tpu.memory_space<vmem>>
          %dma_wait3A_165 = arith.constant 0 : i32
          %dma_wait3A_166 = arith.constant 0 : i32
          %dma_wait3A_167 = tpu.memref_slice %arg6[%dma_wait3A_165, %dma_wait3A_166] : memref<4096x18432xf32, #tpu.memory_space<hbm>> -> memref<4096x18432xf32, #tpu.memory_space<hbm>>
          tpu.wait_indirect_dma semaphore(%arg12 : memref<!tpu.dma_semaphore, #tpu.memory_space<semaphore_mem>>) src(%dma_wait3A_161 : memref<1x18432xf32, #tpu.memory_space<vmem>>) dst(%dma_wait3A_167 : memref<4096x18432xf32, #tpu.memory_space<hbm>>)
        }
        %dma_start3A = arith.constant 0 : i32
        %dma_start3A_135 = arith.constant 0 : i32
        %dma_start3A_136 = arith.constant 0 : i32
        %dma_start3A_137 = tpu.memref_slice %arg10[%dma_start3A, %dma_start3A_135, %dma_start3A_136] : memref<2x1x18432xf32, #tpu.memory_space<vmem>> -> memref<1x1x18432xf32, #tpu.memory_space<vmem>>
        %dma_start3A_138 = tpu.memref_squeeze %dma_start3A_137 : memref<1x1x18432xf32, #tpu.memory_space<vmem>> -> memref<1x18432xf32, #tpu.memory_space<vmem>>
        %dma_start3A_139 = arith.constant 0 : i32
        %dma_start3A_140 = tpu.memref_slice %arg7[%scan3A_30, %dma_start3A_139] : memref<128x1xi32, #tpu.memory_space<vmem>> -> memref<1x1xi32, #tpu.memory_space<vmem>>
        %dma_start3A_141 = tpu.memref_squeeze %dma_start3A_140 : memref<1x1xi32, #tpu.memory_space<vmem>> -> memref<1xi32, #tpu.memory_space<vmem>>
        %dma_start3A_142 = arith.constant 0 : i32
        %dma_start3A_143 = arith.constant 0 : i32
        %dma_start3A_144 = tpu.memref_slice %arg5[%dma_start3A_142, %dma_start3A_143] : memref<1024x18432xf32, #tpu.memory_space<hbm>> -> memref<1024x18432xf32, #tpu.memory_space<hbm>>
        tpu.enqueue_indirect_dma source(%dma_start3A_144 : memref<1024x18432xf32, #tpu.memory_space<hbm>>) target(%dma_start3A_138 : memref<1x18432xf32, #tpu.memory_space<vmem>>) offsets(%dma_start3A_141 : memref<1xi32, #tpu.memory_space<vmem>>) semaphore(%arg11 : memref<!tpu.dma_semaphore, #tpu.memory_space<semaphore_mem>>)
        %dma_wait3A = arith.constant 0 : i32
        %dma_wait3A_145 = arith.constant 0 : i32
        %dma_wait3A_146 = arith.constant 0 : i32
        %dma_wait3A_147 = tpu.memref_slice %arg10[%dma_wait3A, %dma_wait3A_145, %dma_wait3A_146] : memref<2x1x18432xf32, #tpu.memory_space<vmem>> -> memref<1x1x18432xf32, #tpu.memory_space<vmem>>
        %dma_wait3A_148 = tpu.memref_squeeze %dma_wait3A_147 : memref<1x1x18432xf32, #tpu.memory_space<vmem>> -> memref<1x18432xf32, #tpu.memory_space<vmem>>
        %dma_wait3A_149 = arith.constant 0 : i32
        %dma_wait3A_150 = tpu.memref_slice %arg7[%scan3A_30, %dma_wait3A_149] : memref<128x1xi32, #tpu.memory_space<vmem>> -> memref<1x1xi32, #tpu.memory_space<vmem>>
        %dma_wait3A_151 = tpu.memref_squeeze %dma_wait3A_150 : memref<1x1xi32, #tpu.memory_space<vmem>> -> memref<1xi32, #tpu.memory_space<vmem>>
        %dma_wait3A_152 = arith.constant 0 : i32
        %dma_wait3A_153 = arith.constant 0 : i32
        %dma_wait3A_154 = tpu.memref_slice %arg5[%dma_wait3A_152, %dma_wait3A_153] : memref<1024x18432xf32, #tpu.memory_space<hbm>> -> memref<1024x18432xf32, #tpu.memory_space<hbm>>
        tpu.wait_indirect_dma semaphore(%arg11 : memref<!tpu.dma_semaphore, #tpu.memory_space<semaphore_mem>>) src(%dma_wait3A_154 : memref<1024x18432xf32, #tpu.memory_space<hbm>>) dst(%dma_wait3A_148 : memref<1x18432xf32, #tpu.memory_space<vmem>>)
      } else {
      }
      %eq3A_92 = arith.constant 1 : i32
      %eq3A_93 = arith.cmpi eq, %select_n3A_87, %eq3A_92 : i32
      %and3A_94 = arith.andi %or3A, %eq3A_93 : i1
      %convert_element_type3A_95 = arith.extui %and3A_94 : i1 to i32
      %cond3A_96 = arith.constant 0 : i32
      %cond3A_97 = arith.cmpi ne, %convert_element_type3A_95, %cond3A_96 : i32
      scf.if %cond3A_97 {
        %while3A_125 = arith.constant 0 : i32
        %while3A_126 = arith.constant 0 : i32
        %while3A_127 = arith.subi %scan3A_33, %while3A_126 : i32
        %while3A_128 = arith.addi %while3A_126, %while3A_127 : i32
        %while3A_129 = arith.constant 1 : i32
        %while3A_130 = arith.divsi %while3A_127, %while3A_129 : i32
        %while3A_131 = arith.muli %while3A_130, %while3A_129 : i32
        %while3A_132 = arith.addi %while3A_126, %while3A_131 : i32
        %while3A_133 = arith.constant 1 : i32
        scf.for %while3A_155 = %while3A_126 to %while3A_132 step %while3A_133  : i32 {
          %dma_wait3A_156 = arith.constant 1 : i32
          %dma_wait3A_157 = arith.constant 0 : i32
          %dma_wait3A_158 = arith.constant 0 : i32
          %dma_wait3A_159 = arith.constant 0 : i32
          %dma_wait3A_160 = tpu.memref_slice %arg10[%dma_wait3A_156, %dma_wait3A_158, %dma_wait3A_159] : memref<2x1x18432xf32, #tpu.memory_space<vmem>> -> memref<1x1x18432xf32, #tpu.memory_space<vmem>>
          %dma_wait3A_161 = tpu.memref_squeeze %dma_wait3A_160 : memref<1x1x18432xf32, #tpu.memory_space<vmem>> -> memref<1x18432xf32, #tpu.memory_space<vmem>>
          %dma_wait3A_162 = arith.constant 0 : i32
          %dma_wait3A_163 = tpu.memref_slice %arg8[%dma_wait3A_157, %dma_wait3A_162] : memref<128x1xi32, #tpu.memory_space<vmem>> -> memref<1x1xi32, #tpu.memory_space<vmem>>
          %dma_wait3A_164 = tpu.memref_squeeze %dma_wait3A_163 : memref<1x1xi32, #tpu.memory_space<vmem>> -> memref<1xi32, #tpu.memory_space<vmem>>
          %dma_wait3A_165 = arith.constant 0 : i32
          %dma_wait3A_166 = arith.constant 0 : i32
          %dma_wait3A_167 = tpu.memref_slice %arg6[%dma_wait3A_165, %dma_wait3A_166] : memref<4096x18432xf32, #tpu.memory_space<hbm>> -> memref<4096x18432xf32, #tpu.memory_space<hbm>>
          tpu.wait_indirect_dma semaphore(%arg13 : memref<!tpu.dma_semaphore, #tpu.memory_space<semaphore_mem>>) src(%dma_wait3A_161 : memref<1x18432xf32, #tpu.memory_space<vmem>>) dst(%dma_wait3A_167 : memref<4096x18432xf32, #tpu.memory_space<hbm>>)
        }
        %while3A_134 = arith.constant 1 : i32
        scf.for %while3A_155 = %while3A_132 to %while3A_128 step %while3A_134  : i32 {
          %dma_wait3A_156 = arith.constant 1 : i32
          %dma_wait3A_157 = arith.constant 0 : i32
          %dma_wait3A_158 = arith.constant 0 : i32
          %dma_wait3A_159 = arith.constant 0 : i32
          %dma_wait3A_160 = tpu.memref_slice %arg10[%dma_wait3A_156, %dma_wait3A_158, %dma_wait3A_159] : memref<2x1x18432xf32, #tpu.memory_space<vmem>> -> memref<1x1x18432xf32, #tpu.memory_space<vmem>>
          %dma_wait3A_161 = tpu.memref_squeeze %dma_wait3A_160 : memref<1x1x18432xf32, #tpu.memory_space<vmem>> -> memref<1x18432xf32, #tpu.memory_space<vmem>>
          %dma_wait3A_162 = arith.constant 0 : i32
          %dma_wait3A_163 = tpu.memref_slice %arg8[%dma_wait3A_157, %dma_wait3A_162] : memref<128x1xi32, #tpu.memory_space<vmem>> -> memref<1x1xi32, #tpu.memory_space<vmem>>
          %dma_wait3A_164 = tpu.memref_squeeze %dma_wait3A_163 : memref<1x1xi32, #tpu.memory_space<vmem>> -> memref<1xi32, #tpu.memory_space<vmem>>
          %dma_wait3A_165 = arith.constant 0 : i32
          %dma_wait3A_166 = arith.constant 0 : i32
          %dma_wait3A_167 = tpu.memref_slice %arg6[%dma_wait3A_165, %dma_wait3A_166] : memref<4096x18432xf32, #tpu.memory_space<hbm>> -> memref<4096x18432xf32, #tpu.memory_space<hbm>>
          tpu.wait_indirect_dma semaphore(%arg13 : memref<!tpu.dma_semaphore, #tpu.memory_space<semaphore_mem>>) src(%dma_wait3A_161 : memref<1x18432xf32, #tpu.memory_space<vmem>>) dst(%dma_wait3A_167 : memref<4096x18432xf32, #tpu.memory_space<hbm>>)
        }
        %dma_start3A = arith.constant 1 : i32
        %dma_start3A_135 = arith.constant 0 : i32
        %dma_start3A_136 = arith.constant 0 : i32
        %dma_start3A_137 = tpu.memref_slice %arg10[%dma_start3A, %dma_start3A_135, %dma_start3A_136] : memref<2x1x18432xf32, #tpu.memory_space<vmem>> -> memref<1x1x18432xf32, #tpu.memory_space<vmem>>
        %dma_start3A_138 = tpu.memref_squeeze %dma_start3A_137 : memref<1x1x18432xf32, #tpu.memory_space<vmem>> -> memref<1x18432xf32, #tpu.memory_space<vmem>>
        %dma_start3A_139 = arith.constant 0 : i32
        %dma_start3A_140 = tpu.memref_slice %arg7[%scan3A_30, %dma_start3A_139] : memref<128x1xi32, #tpu.memory_space<vmem>> -> memref<1x1xi32, #tpu.memory_space<vmem>>
        %dma_start3A_141 = tpu.memref_squeeze %dma_start3A_140 : memref<1x1xi32, #tpu.memory_space<vmem>> -> memref<1xi32, #tpu.memory_space<vmem>>
        %dma_start3A_142 = arith.constant 0 : i32
        %dma_start3A_143 = arith.constant 0 : i32
        %dma_start3A_144 = tpu.memref_slice %arg5[%dma_start3A_142, %dma_start3A_143] : memref<1024x18432xf32, #tpu.memory_space<hbm>> -> memref<1024x18432xf32, #tpu.memory_space<hbm>>
        tpu.enqueue_indirect_dma source(%dma_start3A_144 : memref<1024x18432xf32, #tpu.memory_space<hbm>>) target(%dma_start3A_138 : memref<1x18432xf32, #tpu.memory_space<vmem>>) offsets(%dma_start3A_141 : memref<1xi32, #tpu.memory_space<vmem>>) semaphore(%arg11 : memref<!tpu.dma_semaphore, #tpu.memory_space<semaphore_mem>>)
        %dma_wait3A = arith.constant 1 : i32
        %dma_wait3A_145 = arith.constant 0 : i32
        %dma_wait3A_146 = arith.constant 0 : i32
        %dma_wait3A_147 = tpu.memref_slice %arg10[%dma_wait3A, %dma_wait3A_145, %dma_wait3A_146] : memref<2x1x18432xf32, #tpu.memory_space<vmem>> -> memref<1x1x18432xf32, #tpu.memory_space<vmem>>
        %dma_wait3A_148 = tpu.memref_squeeze %dma_wait3A_147 : memref<1x1x18432xf32, #tpu.memory_space<vmem>> -> memref<1x18432xf32, #tpu.memory_space<vmem>>
        %dma_wait3A_149 = arith.constant 0 : i32
        %dma_wait3A_150 = tpu.memref_slice %arg7[%scan3A_30, %dma_wait3A_149] : memref<128x1xi32, #tpu.memory_space<vmem>> -> memref<1x1xi32, #tpu.memory_space<vmem>>
        %dma_wait3A_151 = tpu.memref_squeeze %dma_wait3A_150 : memref<1x1xi32, #tpu.memory_space<vmem>> -> memref<1xi32, #tpu.memory_space<vmem>>
        %dma_wait3A_152 = arith.constant 0 : i32
        %dma_wait3A_153 = arith.constant 0 : i32
        %dma_wait3A_154 = tpu.memref_slice %arg5[%dma_wait3A_152, %dma_wait3A_153] : memref<1024x18432xf32, #tpu.memory_space<hbm>> -> memref<1024x18432xf32, #tpu.memory_space<hbm>>
        tpu.wait_indirect_dma semaphore(%arg11 : memref<!tpu.dma_semaphore, #tpu.memory_space<semaphore_mem>>) src(%dma_wait3A_154 : memref<1024x18432xf32, #tpu.memory_space<hbm>>) dst(%dma_wait3A_148 : memref<1x18432xf32, #tpu.memory_space<vmem>>)
      } else {
      }
      %eq3A_98 = arith.constant 0 : i32
      %eq3A_99 = arith.cmpi eq, %select_n3A_87, %eq3A_98 : i32
      %convert_element_type3A_100 = arith.extui %eq3A_99 : i1 to i32
      %cond3A_101 = arith.constant 0 : i32
      %cond3A_102 = arith.cmpi ne, %convert_element_type3A_100, %cond3A_101 : i32
      scf.if %cond3A_102 {
        %dma_start3A = arith.constant 0 : i32
        %dma_start3A_125 = arith.constant 0 : i32
        %dma_start3A_126 = arith.constant 0 : i32
        %dma_start3A_127 = tpu.memref_slice %arg10[%dma_start3A, %dma_start3A_125, %dma_start3A_126] : memref<2x1x18432xf32, #tpu.memory_space<vmem>> -> memref<1x1x18432xf32, #tpu.memory_space<vmem>>
        %dma_start3A_128 = tpu.memref_squeeze %dma_start3A_127 : memref<1x1x18432xf32, #tpu.memory_space<vmem>> -> memref<1x18432xf32, #tpu.memory_space<vmem>>
        %dma_start3A_129 = arith.constant 0 : i32
        %dma_start3A_130 = tpu.memref_slice %arg8[%scan3A_30, %dma_start3A_129] : memref<128x1xi32, #tpu.memory_space<vmem>> -> memref<1x1xi32, #tpu.memory_space<vmem>>
        %dma_start3A_131 = tpu.memref_squeeze %dma_start3A_130 : memref<1x1xi32, #tpu.memory_space<vmem>> -> memref<1xi32, #tpu.memory_space<vmem>>
        %dma_start3A_132 = arith.constant 0 : i32
        %dma_start3A_133 = arith.constant 0 : i32
        %dma_start3A_134 = tpu.memref_slice %arg6[%dma_start3A_132, %dma_start3A_133] : memref<4096x18432xf32, #tpu.memory_space<hbm>> -> memref<4096x18432xf32, #tpu.memory_space<hbm>>
        tpu.enqueue_indirect_dma source(%dma_start3A_128 : memref<1x18432xf32, #tpu.memory_space<vmem>>) target(%dma_start3A_134 : memref<4096x18432xf32, #tpu.memory_space<hbm>>) offsets(%dma_start3A_131 : memref<1xi32, #tpu.memory_space<vmem>>) semaphore(%arg12 : memref<!tpu.dma_semaphore, #tpu.memory_space<semaphore_mem>>)
      } else {
      }
      %eq3A_103 = arith.constant 1 : i32
      %eq3A_104 = arith.cmpi eq, %select_n3A_87, %eq3A_103 : i32
      %convert_element_type3A_105 = arith.extui %eq3A_104 : i1 to i32
      %cond3A_106 = arith.constant 0 : i32
      %cond3A_107 = arith.cmpi ne, %convert_element_type3A_105, %cond3A_106 : i32
      scf.if %cond3A_107 {
        %dma_start3A = arith.constant 1 : i32
        %dma_start3A_125 = arith.constant 0 : i32
        %dma_start3A_126 = arith.constant 0 : i32
        %dma_start3A_127 = tpu.memref_slice %arg10[%dma_start3A, %dma_start3A_125, %dma_start3A_126] : memref<2x1x18432xf32, #tpu.memory_space<vmem>> -> memref<1x1x18432xf32, #tpu.memory_space<vmem>>
        %dma_start3A_128 = tpu.memref_squeeze %dma_start3A_127 : memref<1x1x18432xf32, #tpu.memory_space<vmem>> -> memref<1x18432xf32, #tpu.memory_space<vmem>>
        %dma_start3A_129 = arith.constant 0 : i32
        %dma_start3A_130 = tpu.memref_slice %arg8[%scan3A_30, %dma_start3A_129] : memref<128x1xi32, #tpu.memory_space<vmem>> -> memref<1x1xi32, #tpu.memory_space<vmem>>
        %dma_start3A_131 = tpu.memref_squeeze %dma_start3A_130 : memref<1x1xi32, #tpu.memory_space<vmem>> -> memref<1xi32, #tpu.memory_space<vmem>>
        %dma_start3A_132 = arith.constant 0 : i32
        %dma_start3A_133 = arith.constant 0 : i32
        %dma_start3A_134 = tpu.memref_slice %arg6[%dma_start3A_132, %dma_start3A_133] : memref<4096x18432xf32, #tpu.memory_space<hbm>> -> memref<4096x18432xf32, #tpu.memory_space<hbm>>
        tpu.enqueue_indirect_dma source(%dma_start3A_128 : memref<1x18432xf32, #tpu.memory_space<vmem>>) target(%dma_start3A_134 : memref<4096x18432xf32, #tpu.memory_space<hbm>>) offsets(%dma_start3A_131 : memref<1xi32, #tpu.memory_space<vmem>>) semaphore(%arg13 : memref<!tpu.dma_semaphore, #tpu.memory_space<semaphore_mem>>)
      } else {
      }
      %eq3A_108 = arith.constant 0 : i32
      %eq3A_109 = arith.cmpi eq, %select_n3A_87, %eq3A_108 : i32
      %convert_element_type3A_110 = arith.extui %eq3A_109 : i1 to i32
      %eq3A_111 = arith.constant 0 : i32
      %eq3A_112 = arith.cmpi eq, %select_n3A_87, %eq3A_111 : i32
      %and3A_113 = arith.andi %or3A, %eq3A_112 : i1
      %jit3A_114 = arith.constant 0 : i32
      %select_n3A_115 = arith.select %and3A_113, %jit3A_114, %scan3A_32 : i32
      %add3A_116 = arith.addi %select_n3A_115, %convert_element_type3A_110 : i32
      %eq3A_117 = arith.constant 1 : i32
      %eq3A_118 = arith.cmpi eq, %select_n3A_87, %eq3A_117 : i32
      %and3A_119 = arith.andi %or3A, %eq3A_118 : i1
      %jit3A_120 = arith.constant 0 : i32
      %select_n3A_121 = arith.select %and3A_119, %jit3A_120, %scan3A_33 : i32
      %sub3A_122 = arith.constant 1 : i32
      %sub3A_123 = arith.subi %sub3A_122, %convert_element_type3A_110 : i32
      %add3A_124 = arith.addi %select_n3A_121, %sub3A_123 : i32
      scf.yield %select_n3A_87, %add3A_116, %add3A_124 : i32, i32, i32
    }
    %scan3A_10 = arith.constant 128 : i32
    %while3A = arith.constant 0 : i32
    %while3A_11 = arith.constant 0 : i32
    %while3A_12 = arith.subi %scan3A_9#1, %while3A_11 : i32
    %while3A_13 = arith.addi %while3A_11, %while3A_12 : i32
    %while3A_14 = arith.constant 1 : i32
    %while3A_15 = arith.divsi %while3A_12, %while3A_14 : i32
    %while3A_16 = arith.muli %while3A_15, %while3A_14 : i32
    %while3A_17 = arith.addi %while3A_11, %while3A_16 : i32
    %while3A_18 = arith.constant 1 : i32
    scf.for %while3A_30 = %while3A_11 to %while3A_17 step %while3A_18  : i32 {
      %dma_wait3A = arith.constant 0 : i32
      %dma_wait3A_31 = arith.constant 0 : i32
      %dma_wait3A_32 = arith.constant 0 : i32
      %dma_wait3A_33 = arith.constant 0 : i32
      %dma_wait3A_34 = tpu.memref_slice %arg10[%dma_wait3A, %dma_wait3A_32, %dma_wait3A_33] : memref<2x1x18432xf32, #tpu.memory_space<vmem>> -> memref<1x1x18432xf32, #tpu.memory_space<vmem>>
      %dma_wait3A_35 = tpu.memref_squeeze %dma_wait3A_34 : memref<1x1x18432xf32, #tpu.memory_space<vmem>> -> memref<1x18432xf32, #tpu.memory_space<vmem>>
      %dma_wait3A_36 = arith.constant 0 : i32
      %dma_wait3A_37 = tpu.memref_slice %arg8[%dma_wait3A_31, %dma_wait3A_36] : memref<128x1xi32, #tpu.memory_space<vmem>> -> memref<1x1xi32, #tpu.memory_space<vmem>>
      %dma_wait3A_38 = tpu.memref_squeeze %dma_wait3A_37 : memref<1x1xi32, #tpu.memory_space<vmem>> -> memref<1xi32, #tpu.memory_space<vmem>>
      %dma_wait3A_39 = arith.constant 0 : i32
      %dma_wait3A_40 = arith.constant 0 : i32
      %dma_wait3A_41 = tpu.memref_slice %arg6[%dma_wait3A_39, %dma_wait3A_40] : memref<4096x18432xf32, #tpu.memory_space<hbm>> -> memref<4096x18432xf32, #tpu.memory_space<hbm>>
      tpu.wait_indirect_dma semaphore(%arg12 : memref<!tpu.dma_semaphore, #tpu.memory_space<semaphore_mem>>) src(%dma_wait3A_35 : memref<1x18432xf32, #tpu.memory_space<vmem>>) dst(%dma_wait3A_41 : memref<4096x18432xf32, #tpu.memory_space<hbm>>)
    }
    %while3A_19 = arith.constant 1 : i32
    scf.for %while3A_30 = %while3A_17 to %while3A_13 step %while3A_19  : i32 {
      %dma_wait3A = arith.constant 0 : i32
      %dma_wait3A_31 = arith.constant 0 : i32
      %dma_wait3A_32 = arith.constant 0 : i32
      %dma_wait3A_33 = arith.constant 0 : i32
      %dma_wait3A_34 = tpu.memref_slice %arg10[%dma_wait3A, %dma_wait3A_32, %dma_wait3A_33] : memref<2x1x18432xf32, #tpu.memory_space<vmem>> -> memref<1x1x18432xf32, #tpu.memory_space<vmem>>
      %dma_wait3A_35 = tpu.memref_squeeze %dma_wait3A_34 : memref<1x1x18432xf32, #tpu.memory_space<vmem>> -> memref<1x18432xf32, #tpu.memory_space<vmem>>
      %dma_wait3A_36 = arith.constant 0 : i32
      %dma_wait3A_37 = tpu.memref_slice %arg8[%dma_wait3A_31, %dma_wait3A_36] : memref<128x1xi32, #tpu.memory_space<vmem>> -> memref<1x1xi32, #tpu.memory_space<vmem>>
      %dma_wait3A_38 = tpu.memref_squeeze %dma_wait3A_37 : memref<1x1xi32, #tpu.memory_space<vmem>> -> memref<1xi32, #tpu.memory_space<vmem>>
      %dma_wait3A_39 = arith.constant 0 : i32
      %dma_wait3A_40 = arith.constant 0 : i32
      %dma_wait3A_41 = tpu.memref_slice %arg6[%dma_wait3A_39, %dma_wait3A_40] : memref<4096x18432xf32, #tpu.memory_space<hbm>> -> memref<4096x18432xf32, #tpu.memory_space<hbm>>
      tpu.wait_indirect_dma semaphore(%arg12 : memref<!tpu.dma_semaphore, #tpu.memory_space<semaphore_mem>>) src(%dma_wait3A_35 : memref<1x18432xf32, #tpu.memory_space<vmem>>) dst(%dma_wait3A_41 : memref<4096x18432xf32, #tpu.memory_space<hbm>>)
    }
    %while3A_20 = arith.constant 0 : i32
    %while3A_21 = arith.constant 0 : i32
    %while3A_22 = arith.subi %scan3A_9#2, %while3A_21 : i32
    %while3A_23 = arith.addi %while3A_21, %while3A_22 : i32
    %while3A_24 = arith.constant 1 : i32
    %while3A_25 = arith.divsi %while3A_22, %while3A_24 : i32
    %while3A_26 = arith.muli %while3A_25, %while3A_24 : i32
    %while3A_27 = arith.addi %while3A_21, %while3A_26 : i32
    %while3A_28 = arith.constant 1 : i32
    scf.for %while3A_30 = %while3A_21 to %while3A_27 step %while3A_28  : i32 {
      %dma_wait3A = arith.constant 1 : i32
      %dma_wait3A_31 = arith.constant 0 : i32
      %dma_wait3A_32 = arith.constant 0 : i32
      %dma_wait3A_33 = arith.constant 0 : i32
      %dma_wait3A_34 = tpu.memref_slice %arg10[%dma_wait3A, %dma_wait3A_32, %dma_wait3A_33] : memref<2x1x18432xf32, #tpu.memory_space<vmem>> -> memref<1x1x18432xf32, #tpu.memory_space<vmem>>
      %dma_wait3A_35 = tpu.memref_squeeze %dma_wait3A_34 : memref<1x1x18432xf32, #tpu.memory_space<vmem>> -> memref<1x18432xf32, #tpu.memory_space<vmem>>
      %dma_wait3A_36 = arith.constant 0 : i32
      %dma_wait3A_37 = tpu.memref_slice %arg8[%dma_wait3A_31, %dma_wait3A_36] : memref<128x1xi32, #tpu.memory_space<vmem>> -> memref<1x1xi32, #tpu.memory_space<vmem>>
      %dma_wait3A_38 = tpu.memref_squeeze %dma_wait3A_37 : memref<1x1xi32, #tpu.memory_space<vmem>> -> memref<1xi32, #tpu.memory_space<vmem>>
      %dma_wait3A_39 = arith.constant 0 : i32
      %dma_wait3A_40 = arith.constant 0 : i32
      %dma_wait3A_41 = tpu.memref_slice %arg6[%dma_wait3A_39, %dma_wait3A_40] : memref<4096x18432xf32, #tpu.memory_space<hbm>> -> memref<4096x18432xf32, #tpu.memory_space<hbm>>
      tpu.wait_indirect_dma semaphore(%arg13 : memref<!tpu.dma_semaphore, #tpu.memory_space<semaphore_mem>>) src(%dma_wait3A_35 : memref<1x18432xf32, #tpu.memory_space<vmem>>) dst(%dma_wait3A_41 : memref<4096x18432xf32, #tpu.memory_space<hbm>>)
    }
    %while3A_29 = arith.constant 1 : i32
    scf.for %while3A_30 = %while3A_27 to %while3A_23 step %while3A_29  : i32 {
      %dma_wait3A = arith.constant 1 : i32
      %dma_wait3A_31 = arith.constant 0 : i32
      %dma_wait3A_32 = arith.constant 0 : i32
      %dma_wait3A_33 = arith.constant 0 : i32
      %dma_wait3A_34 = tpu.memref_slice %arg10[%dma_wait3A, %dma_wait3A_32, %dma_wait3A_33] : memref<2x1x18432xf32, #tpu.memory_space<vmem>> -> memref<1x1x18432xf32, #tpu.memory_space<vmem>>
      %dma_wait3A_35 = tpu.memref_squeeze %dma_wait3A_34 : memref<1x1x18432xf32, #tpu.memory_space<vmem>> -> memref<1x18432xf32, #tpu.memory_space<vmem>>
      %dma_wait3A_36 = arith.constant 0 : i32
      %dma_wait3A_37 = tpu.memref_slice %arg8[%dma_wait3A_31, %dma_wait3A_36] : memref<128x1xi32, #tpu.memory_space<vmem>> -> memref<1x1xi32, #tpu.memory_space<vmem>>
      %dma_wait3A_38 = tpu.memref_squeeze %dma_wait3A_37 : memref<1x1xi32, #tpu.memory_space<vmem>> -> memref<1xi32, #tpu.memory_space<vmem>>
      %dma_wait3A_39 = arith.constant 0 : i32
      %dma_wait3A_40 = arith.constant 0 : i32
      %dma_wait3A_41 = tpu.memref_slice %arg6[%dma_wait3A_39, %dma_wait3A_40] : memref<4096x18432xf32, #tpu.memory_space<hbm>> -> memref<4096x18432xf32, #tpu.memory_space<hbm>>
      tpu.wait_indirect_dma semaphore(%arg13 : memref<!tpu.dma_semaphore, #tpu.memory_space<semaphore_mem>>) src(%dma_wait3A_35 : memref<1x18432xf32, #tpu.memory_space<vmem>>) dst(%dma_wait3A_41 : memref<4096x18432xf32, #tpu.memory_space<hbm>>)
    }
    return
  }
}

</mosaic_0001>

<sc_bundles>
// kernel: kernel.3.cloned.1.call-start
scs
__scs_entry_jumppad:
0x0: {  	(pc) =	sbr.rel $0x88, $3  }
0x1: {  	(tag) =	ssettag $0x0;
	lr =	simm.s32 $0x1  }
0x2: {  	[smem:$0x3F9F] =	sst lr;
	_ =	strace $0xD0000000  }
0x3: {  	_ = 	snop  }
0x4: {  	_ = 	snop  }
0x5: {  	_ = 	snop  }
0x6: {  	_ = 	snop  }
0x7: {  	_ = 	snop  }
__scs_overlays_trampoline_lowered:
0x8: {  	[smem:$0x3FAE] =	sst s0  }
0x9: {  	[smem:$0x3FAF] =	sst s1  }
0xa: {  	[smem:$0x3FB0] =	sst s2  }
0xb: {  	[smem:$0x3FB1] =	sst s3  }
0xc: {  	[smem:$0x3FB2] =	sst s4  }
0xd: {  	[smem:$0x3FB3] =	sst s5  }
0xe: {  	[smem:$0x3FB4] =	sst s6  }
0xf: {  	[smem:$0x3FB5] =	sst s7  }
0x10: {  	[smem:$0x3FB6] =	sst s8  }
0x11: {  	[smem:$0x3FB7] =	sst s9;
	s0 =	simm.s32 @!p0 $0x0  }
0x12: {  	s1 =	sld [smem:$0x3F9D];
	s0 =	simm.s32 @p0 $0x1  }
0x13: {  	[smem:$0x3FB8] =	sst s0;
	s0 =	simm.s32 @!p1 $0x0  }
0x14: {  	s2 =	sld [smem:$0x3F9C];
	s0 =	simm.s32 @p1 $0x1  }
0x15: {  	[smem:$0x3FB9] =	sst s0;
	s0 =	simm.s32 @!p2 $0x0  }
0x16: {  	s3 =	sld [smem:$0x3FDB];
	s0 =	simm.s32 @p2 $0x1  }
0x17: {  	s4 =	simm.s32 $0x1BF5;
	[smem:$0x3FBB] =	sst s0  }
0x18: {  	s0 =	sld [smem:$0x3F9E];
	_ =	swait.ge [sflag:s4], $0x0  }
0x19: {  	s7 =	sld [smem:$0x3F9F]  }
0x1a: {  	s8 =	sadd.s32 $0xFFFFE003, lr  }
0x1b: {  	s9 =	sadd.s32 $0xFFFFFEF7, lr;
	s5 =	simm.s32 $0xFFFFFFFF;
	p2 =	slt.u32 s8, $0xFFFFF086  }
0x1c: {  	p1 =	slt.u32 s9, $0xF7A;
	s5 =	simm.s32 @!p2 $0x0  }
0x1d: {  	s5 =	simm.s32 @p1 $0x1;
	p0 =	seq.s32 s7, s2  }
0x1e: {  	s7 =	smul.u32 @!p0 $0xF7A, s2;
	p2 =	seq.s32 @!p0 s5, $0x0  }
0x1f: {  	s9 =	smul.u32 $0xF7A, s1;
	s8 =	simm.s32 @!p0 $0x1BF5;
	p2 =	por !p2, p0  }
0x20: {  	[sflag:s8] =	ssyncset.s32 @!p0 $0xFFFFF086;
	s6 =	sadd.s32 @!p0 s3, s7;
	s7 =	simm.s32 @!p0 $0x108  }
0x21: {  	s3 =	sadd.s32 s3, s9;
	s6 =	sadd.s32 @!p0 $0x88, s6;
	s7 =	simm.s32 @p2 $0x1082  }
0x22: {  	[simem:s7], [sflag:s8] =	dma.local @!p0 [hbm:s6], $0xF7A  }
0x23: {  	s9 =	sor.u32 $0xD0000000, s2;
	s6 =	simm.s32 $0x108;
	_ =	swait.ge @!p0 [sflag:s8], $0x0  }
0x24: {  	s3 =	sadd.s32 $0x88, s3;
	s6 =	simm.s32 @!p1 $0x1082;
	[sflag:s4] =	ssyncset.s32 $0xFFFFF086  }
0x25: {  	[simem:s6], [sflag:s4] =	dma.local [hbm:s3], $0xF7A  }
0x26: {  	[smem:$0x3F9F] =	sst s1;
	(tag) =	ssettag s2;
	_ =	strace s9  }
0x27: {  	s1 =	sld [smem:$0x3FAF]  }
0x28: {  	s2 =	sld [smem:$0x3FB0]  }
0x29: {  	s4 =	sld [smem:$0x3FB2]  }
0x2a: {  	p0 =	seq.s32 s5, $0x0;
	s5 =	sld [smem:$0x3FB3]  }
0x2b: {  	s6 =	sld [smem:$0x3FB4]  }
0x2c: {  	s7 =	sld [smem:$0x3FB5]  }
0x2d: {  	s3 =	simm.s32 $0x108;
	s8 =	sld [smem:$0x3FB6]  }
0x2e: {  	s3 =	simm.s32 @!p0 $0x1082;
	s9 =	sld [smem:$0x3FB7]  }
0x2f: {  	lr =	sadd.s32 s0, s3;
	s0 =	sld [smem:$0x3FAE]  }
0x30: {  	s3 =	sld [smem:$0x3FB1]  }
0x31: {  	[smem:$0x3FBA] =	sst s10  }
0x32: {  	s10 =	sld [smem:$0x3FB8];
	_ =	sdelay $0x3  }
0x33: {  	p0 =	seq.s32 s10, $0x1;
	s10 =	sld [smem:$0x3FBA];
	_ =	sdelay $0x3  }
0x34: {  	[smem:$0x3FBA] =	sst s10  }
0x35: {  	s10 =	sld [smem:$0x3FB9];
	_ =	sdelay $0x3  }
0x36: {  	p1 =	seq.s32 s10, $0x1;
	s10 =	sld [smem:$0x3FBA];
	_ =	sdelay $0x3  }
0x37: {  	[smem:$0x3FBA] =	sst s10  }
0x38: {  	s10 =	sld [smem:$0x3FBB]  }
0x39: {  	_ = 	snop;
	(pc) =	sbr.ind lr, $3  }
0x3a: {  	_ = 	snop  }
0x3b: {  	_ = 	snop  }
0x3c: {  	p2 =	seq.s32 s10, $0x1;
	s10 =	sld [smem:$0x3FBA]  }
0x3d: {  	_ =	shalt  }
0x3e: {  	_ =	shalt  }
0x3f: {  	_ =	shalt  }
0x40: {  	_ =	shalt  }
0x41: {  	_ =	shalt  }
0x42: {  	_ =	shalt  }
0x43: {  	_ =	shalt  }
0x44: {  	_ =	shalt  }
0x45: {  	_ =	shalt  }
0x46: {  	_ =	shalt  }
0x47: {  	_ =	shalt  }
0x48: {  	_ =	shalt  }
0x49: {  	_ =	shalt  }
0x4a: {  	_ =	shalt  }
0x4b: {  	_ =	shalt  }
0x4c: {  	_ =	shalt  }
0x4d: {  	_ =	shalt  }
0x4e: {  	_ =	shalt  }
0x4f: {  	_ =	shalt  }
0x50: {  	_ =	shalt  }
0x51: {  	_ =	shalt  }
0x52: {  	_ =	shalt  }
0x53: {  	_ =	shalt  }
0x54: {  	_ =	shalt  }
0x55: {  	_ =	shalt  }
0x56: {  	_ =	shalt  }
0x57: {  	_ =	shalt  }
0x58: {  	_ =	shalt  }
0x59: {  	_ =	shalt  }
0x5a: {  	_ =	shalt  }
0x5b: {  	_ =	shalt  }
0x5c: {  	_ =	shalt  }
0x5d: {  	_ =	shalt  }
0x5e: {  	_ =	shalt  }
0x5f: {  	_ =	shalt  }
0x60: {  	_ =	shalt  }
0x61: {  	_ =	shalt  }
0x62: {  	_ =	shalt  }
0x63: {  	_ =	shalt  }
0x64: {  	_ =	shalt  }
0x65: {  	_ =	shalt  }
0x66: {  	_ =	shalt  }
0x67: {  	_ =	shalt  }
0x68: {  	_ =	shalt  }
0x69: {  	_ =	shalt  }
0x6a: {  	_ =	shalt  }
0x6b: {  	_ =	shalt  }
0x6c: {  	_ =	shalt  }
0x6d: {  	_ =	shalt  }
0x6e: {  	_ =	shalt  }
0x6f: {  	_ =	shalt  }
0x70: {  	_ =	shalt  }
0x71: {  	_ =	shalt  }
0x72: {  	_ =	shalt  }
0x73: {  	_ =	shalt  }
0x74: {  	_ =	shalt  }
0x75: {  	_ =	shalt  }
0x76: {  	_ =	shalt  }
0x77: {  	_ =	shalt  }
0x78: {  	_ =	shalt  }
0x79: {  	_ =	shalt  }
0x7a: {  	_ =	shalt  }
0x7b: {  	_ =	shalt  }
0x7c: {  	_ =	shalt  }
0x7d: {  	_ =	shalt  }
0x7e: {  	_ =	shalt  }
0x7f: {  	_ =	shalt  }
0x80: {  	_ =	shalt  }
0x81: {  	_ =	shalt  }
0x82: {  	_ =	shalt  }
0x83: {  	_ =	shalt  }
0x84: {  	_ =	shalt  }
0x85: {  	_ =	shalt  }
0x86: {  	_ =	shalt  }
0x87: {  	_ =	shalt  }
.Lfunc_end0:
.L_simem_size_0:
called_computation_lowered:
.L_overlay_start_0:
0x88: {  	s2 =	sld [smem:$0x3FD9]  }
0x89: {  	s3 =	sld [smem:$0x3FFE];
	_ =	sdelay $0x1  }
0x8a: {  	s1 =	srdreg.scid  }
0x8b: {  	s0 =	sand.u32 $0x1, s1  }
0x8c: {  	s17 =	sshll.u32 s0, $0xA;
	s2 =	sadd.s32 s3, s2  }
0x8d: {  	s2 =	sadd.s32 s2, s17  }
0x8e: {  	[smem:$0x3FC6] =	sst s2  }
0x8f: {  	_ = 	snop  }
0x90: {  	s2 =	sld [smem:$0x3FC8]  }
0x91: {  	s18 =	sld [smem:$0x3FD0];
	(tm) =	ssettm $0x1  }
0x92: {  	s4 =	sld [smem:$0x3FFB];
	_ =	sdelay $0x3  }
0x93: {  	_ =	strace s4  }
0x94: {  	s4 =	sld [smem:$0x3FFC];
	_ =	sdelay $0x3  }
0x95: {  	_ =	strace s4  }
0x96: {  	s4 =	sld [smem:$0x3FFD];
	_ =	sdelay $0x3  }
0x97: {  	_ =	strace s4  }
0x98: {  	_ =	strace $0x8FFFFFFF  }
0x99: {  	s19 =	sld [smem:$0x3FDB];
	_ =	sdelay $0x1  }
0x9a: {  	s5 =	simm.s32 $_scs_section_size  }
0x9b: {  	s6 =	simm.s32 $_size__tile_overlayer_lowered;
	s7 =	simm.s32 $_tile_overlayer_lowered  }
0x9c: {  	s22 =	simm.s32 $0x1BFF;
	s21 =	sshll.u32 s7, $0x1;
	s4 =	sadd.s32 s5, s19  }
0x9d: {  	s8 =	simm.s32 $0x0;
	s20 =	sshll.u32 s6, $0x1;
	s6 =	sadd.s32 s21, s4  }
0x9e: {  	[timem:s8], [sflag:s22] =	dma.local [hbm:s6], s20  }
0x9f: {  	_ =	swait.ge [sflag:s22], s20  }
0xa0: {  	s5 =	ssub.s32 $0x0, s20;
	[sflag:s22] =	ssyncset.done $0x0  }
0xa1: {  	[sflag:s22] =	ssyncadd.s32 s5;
	_ =	sdelay $0x1  }
0xa2: {  	s23 =	simm.s32 $0x1B8B  }
0xa3: {  	_ =	swait.ge [sflag:s23], $0x1  }
0xa4: {  	[sflag:s23] =	ssyncset.done $0x0  }
0xa5: {  	s25 =	simm.s32 $0x1B8E;
	s24 =	sld [smem:$0x3FFE];
	[sflag:s23] =	ssyncadd.s32 $0xFFFFFFFF  }
0xa6: {  	s26 =	simm.s32 $execute0_lowered;
	[smem:$0x3FD2] =	sst s25  }
0xa7: {  	s6 =	sshll.u32 s26, $0x1;
	_ =	strace $0x80000046;
	[dreg:$0x1] =	wrdreg $0xFFFFFFFF  }
0xa8: {  	s28 =	simm.s32 $_size_execute0_lowered;
	s4 =	sadd.s32 s4, s6;
	[dreg:$0x0] =	wrdreg $0x0  }
0xa9: {  	s6 =	sshll.u32 s28, $0x1;
	[dreg:$0x2] =	wrdreg s4  }
0xaa: {  	[dreg:$0x3] =	wrdreg s6  }
0xab: {  	[dreg:$0x4] =	wrdreg $0xC0  }
0xac: {  	_ =	task [dreg:s8], $0x5FFFF  }
0xad: {  	[dreg:$0x1] =	wrdreg $0xFFFFFFFF  }
0xae: {  	[dreg:$0x0] =	wrdreg $0x60  }
0xaf: {  	[dreg:$0x2] =	wrdreg s24  }
0xb0: {  	[dreg:$0x3] =	wrdreg s2  }
0xb1: {  	[dreg:$0x4] =	wrdreg s18  }
0xb2: {  	[dreg:$0x5] =	wrdreg $0x9  }
0xb3: {  	_ =	task.clear_ibuf [dreg:s8], $0x6FFFF;
	_ =	strace $0x90000046  }
0xb4: {  	s29 =	simm.s32 $0x9;
	_ =	strace $0x80000048  }
0xb5: {  	_ =	swait.ge [sflag:s29], $0x1  }
0xb6: {  	[sflag:s29] =	ssyncadd.s32 $0xFFFFFFFF  }
0xb7: {  	_ =	strace $0x90000048  }
0xb8: {  	_ =	sfence  }
0xb9: {  	s30 =	sld [smem:$0x0];
	_ =	sdelay $0x2  }
0xba: {  	s31 =	sshll.u32 s1, $0xD;
	s1 =	sshrl.u32 s1, $0x2  }
0xbb: {  	s3 =	sand.u32 $0x4000, s31;
	s1 =	sadd.s32 s1, s30  }
0xbc: {  	s0 =	sor.u32 s3, s0;
	s1 =	sshll.u32 s1, $0x11  }
0xbd: {  	s0 =	sor.u32 s1, s0  }
0xbe: {  	s0 =	sadd.s32 $0x8F2B, s0  }
0xbf: {  	[sflag:s0] =	ssyncadd.remote.s32 $0x1  }
0xc0: {  	_ =	sfence.sel $0xFFFF  }
0xc1: {  	[dreg:$0x0] =	wrdreg $0xFFFFFFFF;
	(pc) =	sbr.abs _section_cstart, $3  }
0xc2: {  	[dreg:$0x1] =	wrdreg $0xFFFFFFFF  }
0xc3: {  	_ =	task.clear_ibuf [dreg:s8], $0x2FFFF;
	_ =	strace $0x9FFFFFFF  }
0xc4: {  	(tm) =	ssettm $0x7FFFFFFF  }
0xc5: {  	_ =	shalt  }
tec
execute0_lowered:
.L_overlay_start_1:
0x0: {  	(tag) =	ssettag $0x1  }
0x1: {  	s0 =	rddreg [dreg:$0x0]  }
0x2: {  	s1 =	rddreg [dreg:$0x1]  }
0x3: {  	s3 =	rddreg [dreg:$0x2];
	s2 =	srdreg.scid;
	s4 =	simm.s32 $0x0  }
0x4: {  	s5 =	stileid.u32;
	s29 =	simm.s32 $0x1;
	s30 =	simm.s32 $0x2  }
0x5: {  	s25 =	simm.s32 $0x3;
	s2 =	sand.u32 $0x1, s2;
	[smem:$0x7FF] =	sst s4  }
0x6: {  	s5 =	sshll.u32 s5, $0x8;
	s8 =	sadd.s32 $0x800, s1;
	s9 =	sadd.s32 $0x1000, s1  }
0x7: {  	s10 =	sadd.s32 $0x1800, s1;
	s11 =	sadd.s32 $0x2000, s1;
	s12 =	sadd.s32 $0x2800, s1  }
0x8: {  	s13 =	sadd.s32 $0x3000, s1;
	s14 =	sadd.s32 $0x3800, s1;
	s15 =	sadd.s32 $0x4000, s1  }
0x9: {  	s16 =	sadd.s32 $0x800, s3;
	s17 =	sadd.s32 $0x1000, s3;
	s18 =	sadd.s32 $0x1800, s3  }
0xa: {  	s19 =	sadd.s32 $0x2000, s3;
	s20 =	sadd.s32 $0x2800, s3;
	s6 =	sshll.u32 s2, $0x7  }
0xb: {  	_ =	strace $0x80000047;
	s2 =	ssub.s32 $0x2, s2;
	s5 =	sor.u32 s6, s5  }
0xc: {  	s7 =	sshrl.u32 s2, $0x1;
	s6 =	sshrl.u32 s5, $0x3;
	s5 =	sshll.u32 s5, $0x4  }
.Ltmp0:
0xd: {  	s26 =	ssub.s32 s2, s7;
	s5 =	sadd.s32 s0, s5;
	(pc) =	sbr.rel .LBB2_1-.Ltmp0, $4  }
0xe: {  	s6 =	sadd.s32 s6, s0;
	s0 =	smax.u32 s26, $0x1;
	[dreg:$0x4] =	wrdreg s5  }
0xf: {  	s21 =	sadd.s32 $0x3000, s3;
	s28 =	sadd.s32 $0x10000, s5;
	[dreg:$0x7] =	wrdreg s0  }
0x10: {  	v0 =	vlaneseq.u32;
	v1 =	vimm.f32 $0.0e+00;
	s22 =	sadd.s32 $0x3800, s3;
	s31 =	sadd.s32 $0x20000, s6;
	[dreg:$0x5] =	wrdreg s28  }
0x11: {  	v2 =	vimm.s32 $0x0;
	vm0 =	vmmov $0xffff;
	s23 =	sadd.s32 $0x4000, s3;
	v3 =	vmul.u32 $0x8, v0;
	s2 =	simm.s32 $0x0;
	[dreg:$0x6] =	wrdreg s31  }
.LBB2_22:
0x12: {  	[sflag:s25] =	ssyncadd.s32 $0xFFFFB800  }
.LBB2_23:
0x13: {  	s2 =	sadd.s32 $0x1, s2;
	s0 =	rddreg [dreg:$0x7]  }
0x14: {  	p0 =	sne.s32 s2, s0  }
.Ltmp1:
0x15: {  	_ = 	snop;
	(pc) =	sbr.rel @!p0 .LBB2_24-.Ltmp1, $1  }
0x16: {  	_ =	sdelay $0x3  }
.LBB2_1:
0x17: {  	[dreg:$0x8] =	wrdreg s2  }
0x18: {  	s0 =	rddreg [dreg:$0x5];
	s7 =	simm.s32 $0x4  }
0x19: {  	[tilespmem:s4], [sflag:$0x4] =	stream.linear.gather [hbm4b:s0+s4], $0x4000, $0x38;
	[tilespmem:$0x11080] =	vst v63  }
0x1a: {  	_ =	swait.ge [sflag:s7], $0x4000  }
0x1b: {  	[sflag:s7] =	ssyncset.done $0x0  }
0x1c: {  	s5 =	simm.s32 $0x4000;
	s24 =	rddreg [dreg:$0x4];
	[sflag:s7] =	ssyncadd.s32 $0xFFFFC000  }
0x1d: {  	[tilespmem:s5], [sflag:$0x4] =	stream.linear.gather [hbm4b:s24+s4], $0x4000, $0x38;
	[tilespmem:$0x11080] =	vst v63  }
0x1e: {  	_ =	swait.ge [sflag:s7], $0x4000  }
0x1f: {  	s28 =	simm.s32 $0x8000;
	[sflag:s7] =	ssyncset.done $0x0  }
.Ltmp2:
0x20: {  	s26 =	rddreg [dreg:$0x6];
	[sflag:s7] =	ssyncadd.s32 $0xFFFFC000;
	(pc) =	sbr.rel .LBB2_2-.Ltmp2, $4  }
0x21: {  	[tilespmem:s28], [sflag:$0x4] =	stream.linear.gather [hbm4b:s26+s4], $0x80, $0x38;
	[tilespmem:$0x11080] =	vst v63  }
0x22: {  	_ =	swait.ge [sflag:s7], $0x80  }
0x23: {  	s31 =	simm.s32 $0x0;
	s0 =	simm.s32 $0x0;
	[sflag:s7] =	ssyncset.done $0x0  }
0x24: {  	s24 =	simm.s32 $0x0;
	s26 =	simm.s32 $0x1;
	[sflag:s7] =	ssyncadd.s32 $0xFFFFFF80  }
.LBB2_12:
0x25: {  	[sflag:s25] =	ssyncadd.s32 $0xFFFFB800  }
.LBB2_13:
0x26: {  	s2 =	sshll.u32 s0, $0x7  }
0x27: {  	s2 =	sand.u32 $0x3FFFFF80, s2  }
0x28: {  	v4 =	vld.msk [tilespmem:s2+$0x0], $0x1;
	_ =	sdelay $0x4  }
0x29: {  	v5 =	vshrl.u32 v4, $0x3  }
0x2a: {  	v5 =	vmul.u32 $0x480, v5  }
0x2b: {  	v4 =	vand.u32 $0x7, v4  }
0x2c: {  	v4 =	vor.u32 v4, v5  }
0x2d: {  	v4 =	vperm.xlane v4, v2;
	_ =	sdelay $0x1  }
0x2e: {  	v4 =	vadd.s32 v3, v4;
	_ =	sdelay $0x3  }
0x2f: {  	s7 =	simm.s32 $0xC880  }
0x30: {  	[tilespmem:s7], [sflag:$0x1] =	stream.indirect_vreg.gather [hbm4b:s1+s4], $0x80, v4, vm0, $0xb8;
	[tilespmem:$0x11080] =	vst v63  }
0x31: {  	s5 =	simm.s32 $0xD080  }
0x32: {  	[tilespmem:s5], [sflag:$0x1] =	stream.indirect_vreg.gather [hbm4b:s8+s4], $0x80, v4, vm0, $0xb8;
	[tilespmem:$0x11080] =	vst v63  }
0x33: {  	s7 =	simm.s32 $0xD880  }
0x34: {  	[tilespmem:s7], [sflag:$0x1] =	stream.indirect_vreg.gather [hbm4b:s9+s4], $0x80, v4, vm0, $0xb8;
	[tilespmem:$0x11080] =	vst v63  }
0x35: {  	s5 =	simm.s32 $0xE080  }
0x36: {  	[tilespmem:s5], [sflag:$0x1] =	stream.indirect_vreg.gather [hbm4b:s10+s4], $0x80, v4, vm0, $0xb8;
	[tilespmem:$0x11080] =	vst v63  }
0x37: {  	s7 =	simm.s32 $0xE880  }
0x38: {  	[tilespmem:s7], [sflag:$0x1] =	stream.indirect_vreg.gather [hbm4b:s11+s4], $0x80, v4, vm0, $0xb8;
	[tilespmem:$0x11080] =	vst v63  }
0x39: {  	s5 =	simm.s32 $0xF080  }
0x3a: {  	[tilespmem:s5], [sflag:$0x1] =	stream.indirect_vreg.gather [hbm4b:s12+s4], $0x80, v4, vm0, $0xb8;
	[tilespmem:$0x11080] =	vst v63  }
0x3b: {  	s7 =	simm.s32 $0xF880  }
0x3c: {  	[tilespmem:s7], [sflag:$0x1] =	stream.indirect_vreg.gather [hbm4b:s13+s4], $0x80, v4, vm0, $0xb8;
	[tilespmem:$0x11080] =	vst v63  }
0x3d: {  	s5 =	simm.s32 $0x10080  }
0x3e: {  	[tilespmem:s5], [sflag:$0x1] =	stream.indirect_vreg.gather [hbm4b:s14+s4], $0x80, v4, vm0, $0xb8;
	[tilespmem:$0x11080] =	vst v63  }
0x3f: {  	s7 =	simm.s32 $0x10880  }
0x40: {  	[tilespmem:s7], [sflag:$0x1] =	stream.indirect_vreg.gather [hbm4b:s15+s4], $0x80, v4, vm0, $0xb8;
	[tilespmem:$0x11080] =	vst v63  }
0x41: {  	_ =	swait.ge [sflag:s29], $0x4800  }
0x42: {  	[sflag:s29] =	ssyncset.done $0x0  }
0x43: {  	[sflag:s29] =	ssyncadd.s32 $0xFFFFB800  }
.LBB2_14:
0x44: {  	p3 =	sne.s32 s26, s6  }
0x45: {  	s2 =	sshll.u32 @!p3 s0, $0x7  }
0x46: {  	s2 =	sand.u32 @!p3 $0x3FFFFF80, s2  }
0x47: {  	v4 =	vld.msk @!p3 [tilespmem:s2+$0x4000], $0x1;
	_ =	sdelay $0x4  }
0x48: {  	v5 =	vshrl.u32 @!p3 v4, $0x3  }
0x49: {  	v5 =	vmul.u32 @!p3 $0x480, v5  }
0x4a: {  	v4 =	vand.u32 @!p3 $0x7, v4  }
0x4b: {  	v6 =	vlaneseq.u32 @!p3;
	v4 =	vor.u32 @!p3 v4, v5;
	v5 =	vimm.s32 @!p3 $0x0  }
0x4c: {  	v4 =	vperm.xlane @!p3 v4, v5;
	v5 =	vmul.u32 @!p3 $0x8, v6;
	_ =	sdelay $0x1  }
0x4d: {  	v4 =	vadd.s32 @!p3 v5, v4;
	_ =	sdelay $0x3  }
0x4e: {  	vm1 =	vmmov @!p3 $0xffff;
	s5 =	simm.s32 @!p3 $0x8080;
	s2 =	simm.s32 @!p3 $0x0  }
0x4f: {  	[hbm4b:s3+s2] =	stream.indirect_vreg.scatter @!p3 [tilespmem:s5], [sflag:$0x2], $0x80, v4, vm1, $0xb8;
	[tilespmem:$0x11080] =	vst v63  }
0x50: {  	s5 =	simm.s32 @!p3 $0x8880  }
0x51: {  	[hbm4b:s16+s2] =	stream.indirect_vreg.scatter @!p3 [tilespmem:s5], [sflag:$0x2], $0x80, v4, vm1, $0xb8;
	[tilespmem:$0x11080] =	vst v63  }
0x52: {  	s5 =	simm.s32 @!p3 $0x9080  }
0x53: {  	[hbm4b:s17+s2] =	stream.indirect_vreg.scatter @!p3 [tilespmem:s5], [sflag:$0x2], $0x80, v4, vm1, $0xb8;
	[tilespmem:$0x11080] =	vst v63  }
0x54: {  	s5 =	simm.s32 @!p3 $0x9880  }
0x55: {  	[hbm4b:s18+s2] =	stream.indirect_vreg.scatter @!p3 [tilespmem:s5], [sflag:$0x2], $0x80, v4, vm1, $0xb8;
	[tilespmem:$0x11080] =	vst v63  }
0x56: {  	s5 =	simm.s32 @!p3 $0xA080  }
0x57: {  	[hbm4b:s19+s2] =	stream.indirect_vreg.scatter @!p3 [tilespmem:s5], [sflag:$0x2], $0x80, v4, vm1, $0xb8;
	[tilespmem:$0x11080] =	vst v63  }
0x58: {  	s5 =	simm.s32 @!p3 $0xA880  }
0x59: {  	[hbm4b:s20+s2] =	stream.indirect_vreg.scatter @!p3 [tilespmem:s5], [sflag:$0x2], $0x80, v4, vm1, $0xb8;
	[tilespmem:$0x11080] =	vst v63  }
0x5a: {  	s5 =	simm.s32 @!p3 $0xB080  }
0x5b: {  	[hbm4b:s21+s2] =	stream.indirect_vreg.scatter @!p3 [tilespmem:s5], [sflag:$0x2], $0x80, v4, vm1, $0xb8;
	[tilespmem:$0x11080] =	vst v63  }
0x5c: {  	s5 =	simm.s32 @!p3 $0xB880  }
0x5d: {  	[hbm4b:s22+s2] =	stream.indirect_vreg.scatter @!p3 [tilespmem:s5], [sflag:$0x2], $0x80, v4, vm1, $0xb8;
	[tilespmem:$0x11080] =	vst v63  }
0x5e: {  	p4 =	sne.s32 s28, $0x1;
	s5 =	simm.s32 @!p3 $0xC080  }
0x5f: {  	[hbm4b:s23+s2] =	stream.indirect_vreg.scatter @!p3 [tilespmem:s5], [sflag:$0x2], $0x80, v4, vm1, $0xb8;
	[tilespmem:$0x11080] =	vst v63  }
0x60: {  	s2 =	sshll.u32 @!p4 s0, $0x7  }
0x61: {  	s2 =	sand.u32 @!p4 $0x3FFFFF80, s2  }
0x62: {  	v4 =	vld.msk @!p4 [tilespmem:s2+$0x4000], $0x1;
	_ =	sdelay $0x4  }
0x63: {  	v5 =	vshrl.u32 @!p4 v4, $0x3  }
0x64: {  	v5 =	vmul.u32 @!p4 $0x480, v5  }
0x65: {  	v4 =	vand.u32 @!p4 $0x7, v4  }
0x66: {  	v6 =	vlaneseq.u32 @!p4;
	v4 =	vor.u32 @!p4 v4, v5;
	v5 =	vimm.s32 @!p4 $0x0  }
0x67: {  	v4 =	vperm.xlane @!p4 v4, v5;
	v5 =	vmul.u32 @!p4 $0x8, v6;
	_ =	sdelay $0x1  }
0x68: {  	v4 =	vadd.s32 @!p4 v5, v4;
	_ =	sdelay $0x3  }
0x69: {  	vm1 =	vmmov @!p4 $0xffff;
	s5 =	simm.s32 @!p4 $0xC880;
	s2 =	simm.s32 @!p4 $0x0  }
0x6a: {  	[hbm4b:s3+s2] =	stream.indirect_vreg.scatter @!p4 [tilespmem:s5], [sflag:$0x3], $0x80, v4, vm1, $0xb8;
	[tilespmem:$0x11080] =	vst v63  }
0x6b: {  	s5 =	simm.s32 @!p4 $0xD080  }
0x6c: {  	[hbm4b:s16+s2] =	stream.indirect_vreg.scatter @!p4 [tilespmem:s5], [sflag:$0x3], $0x80, v4, vm1, $0xb8;
	[tilespmem:$0x11080] =	vst v63  }
0x6d: {  	s5 =	simm.s32 @!p4 $0xD880  }
0x6e: {  	[hbm4b:s17+s2] =	stream.indirect_vreg.scatter @!p4 [tilespmem:s5], [sflag:$0x3], $0x80, v4, vm1, $0xb8;
	[tilespmem:$0x11080] =	vst v63  }
0x6f: {  	s5 =	simm.s32 @!p4 $0xE080  }
0x70: {  	[hbm4b:s18+s2] =	stream.indirect_vreg.scatter @!p4 [tilespmem:s5], [sflag:$0x3], $0x80, v4, vm1, $0xb8;
	[tilespmem:$0x11080] =	vst v63  }
0x71: {  	s5 =	simm.s32 @!p4 $0xE880  }
0x72: {  	[hbm4b:s19+s2] =	stream.indirect_vreg.scatter @!p4 [tilespmem:s5], [sflag:$0x3], $0x80, v4, vm1, $0xb8;
	[tilespmem:$0x11080] =	vst v63  }
0x73: {  	s5 =	simm.s32 @!p4 $0xF080  }
0x74: {  	[hbm4b:s20+s2] =	stream.indirect_vreg.scatter @!p4 [tilespmem:s5], [sflag:$0x3], $0x80, v4, vm1, $0xb8;
	[tilespmem:$0x11080] =	vst v63  }
0x75: {  	s5 =	simm.s32 @!p4 $0xF880  }
0x76: {  	[hbm4b:s21+s2] =	stream.indirect_vreg.scatter @!p4 [tilespmem:s5], [sflag:$0x3], $0x80, v4, vm1, $0xb8;
	[tilespmem:$0x11080] =	vst v63  }
0x77: {  	s5 =	simm.s32 @!p4 $0x10080  }
0x78: {  	[hbm4b:s22+s2] =	stream.indirect_vreg.scatter @!p4 [tilespmem:s5], [sflag:$0x3], $0x80, v4, vm1, $0xb8;
	[tilespmem:$0x11080] =	vst v63  }
0x79: {  	s5 =	simm.s32 @!p4 $0x10880  }
0x7a: {  	[hbm4b:s23+s2] =	stream.indirect_vreg.scatter @!p4 [tilespmem:s5], [sflag:$0x3], $0x80, v4, vm1, $0xb8;
	[tilespmem:$0x11080] =	vst v63  }
0x7b: {  	s0 =	sadd.s32 $0x1, s0;
	s2 =	smov.u32 s24  }
0x7c: {  	s2 =	simm.s32 @p0 $0x0;
	p0 =	seq.s32 s0, $0x80  }
.Ltmp3:
0x7d: {  	_ = 	snop;
	(pc) =	sbr.rel @p0 .LBB2_15-.Ltmp3, $4  }
0x7e: {  	_ = 	snop  }
0x7f: {  	s6 =	smov.u32 s31;
	s7 =	simm.s32 $0x1;
	s5 =	simm.s32 $0x1  }
0x80: {  	s6 =	simm.s32 @p2 $0x0;
	s7 =	simm.s32 @!p3 $0x0;
	s5 =	simm.s32 @!p1 $0x0  }
0x81: {  	s26 =	smov.u32 s28;
	s31 =	sadd.s32 s7, s6;
	s24 =	sadd.s32 s5, s2  }
.LBB2_2:
0x82: {  	s2 =	sand.u32 $0x70, s0  }
0x83: {  	v4 =	vld [tilespmem:s2+$0x8000];
	_ =	sdelay $0x2  }
0x84: {  	s7 =	sand.u32 $0xF, s0  }
0x85: {  	v5 =	vmov s7  }
0x86: {  	vm2 =	veq.s32 v5, v0;
	vm1 =	vne.s32 v4, $0x0  }
0x87: {  	vm1 =	vmand vm2, vm1  }
0x88: {  	v4 =	vsel vm1, $0x3F800000, v1  }
0x89: {  	(xrf0) =	vmax.scan.msk.f32 $0xffff, v4;
	_ =	sdelay $0x5  }
0x8a: {  	v4, _, _ =	vpop (xrf0)  }
0x8b: {  	(v2sf) =	vpush v4, $0xF;
	_ =	sdelay $0xe  }
0x8c: {  	s28 =	spop (v2sf)  }
0x8d: {  	p0 =	sgt.f32 s28, $0.0e+00  }
0x8e: {  	p1 =	seq.s32 s0, $0x0  }
0x8f: {  	s6 =	simm.s32 $0x1;
	p2 =	por p1, p0  }
0x90: {  	s6 =	simm.s32 @!p2 $0x0  }
0x91: {  	p1 =	seq.s32 s26, s6  }
0x92: {  	p0 =	por !p2, !p1  }
0x93: {  	p0 =	por !p0, !p0  }
.Ltmp4:
0x94: {  	_ = 	snop;
	(pc) =	sbr.rel @!p0 .LBB2_8-.Ltmp4, $1  }
0x95: {  	_ =	sdelay $0x3  }
0x96: {  	p3 =	slt.s32 s24, $0x1  }
.Ltmp5:
0x97: {  	_ = 	snop;
	(pc) =	sbr.rel @p3 .LBB2_7-.Ltmp5, $1  }
0x98: {  	_ =	sdelay $0x3  }
0x99: {  	p3 =	sne.s32 s24, $0x1  }
.Ltmp6:
0x9a: {  	_ = 	snop;
	(pc) =	sbr.rel @!p3 .LBB2_6-.Ltmp6, $3  }
0x9b: {  	_ =	sdelay $0x1  }
0x9c: {  	_ =	swait.ge [sflag:s30], $0x4800  }
0x9d: {  	s2 =	sadd.s32 $0xFFFFFFFF, s24;
	[sflag:s30] =	ssyncset.done $0x0  }
.LBB2_5:
0x9e: {  	p3 =	sne.s32 s2, $0x1;
	s2 =	sadd.s32 $0xFFFFFFFF, s2;
	[sflag:s30] =	ssyncadd.s32 $0xFFFFB800  }
.Ltmp7:
0x9f: {  	(pc) =	sbr.rel @p3 .LBB2_5-.Ltmp7, $3  }
0xa0: {  	_ =	sdelay $0x1  }
0xa1: {  	_ =	swait.ge [sflag:s30], $0x4800  }
0xa2: {  	[sflag:s30] =	ssyncset.done $0x0  }
.LBB2_6:
0xa3: {  	[sflag:s30] =	ssyncadd.s32 $0xFFFFB800  }
.LBB2_7:
0xa4: {  	s2 =	sshll.u32 s0, $0x7  }
0xa5: {  	s2 =	sand.u32 $0x3FFFFF80, s2  }
0xa6: {  	v4 =	vld.msk [tilespmem:s2+$0x0], $0x1;
	_ =	sdelay $0x4  }
0xa7: {  	v5 =	vshrl.u32 v4, $0x3  }
0xa8: {  	v5 =	vmul.u32 $0x480, v5  }
0xa9: {  	v4 =	vand.u32 $0x7, v4  }
0xaa: {  	v4 =	vor.u32 v4, v5  }
0xab: {  	v4 =	vperm.xlane v4, v2;
	_ =	sdelay $0x1  }
0xac: {  	v4 =	vadd.s32 v3, v4;
	_ =	sdelay $0x3  }
0xad: {  	s5 =	simm.s32 $0x8080  }
0xae: {  	[tilespmem:s5], [sflag:$0x1] =	stream.indirect_vreg.gather [hbm4b:s1+s4], $0x80, v4, vm0, $0xb8;
	[tilespmem:$0x11080] =	vst v63  }
0xaf: {  	s7 =	simm.s32 $0x8880  }
0xb0: {  	[tilespmem:s7], [sflag:$0x1] =	stream.indirect_vreg.gather [hbm4b:s8+s4], $0x80, v4, vm0, $0xb8;
	[tilespmem:$0x11080] =	vst v63  }
0xb1: {  	s28 =	simm.s32 $0x9080  }
0xb2: {  	[tilespmem:s28], [sflag:$0x1] =	stream.indirect_vreg.gather [hbm4b:s9+s4], $0x80, v4, vm0, $0xb8;
	[tilespmem:$0x11080] =	vst v63  }
0xb3: {  	s5 =	simm.s32 $0x9880  }
0xb4: {  	[tilespmem:s5], [sflag:$0x1] =	stream.indirect_vreg.gather [hbm4b:s10+s4], $0x80, v4, vm0, $0xb8;
	[tilespmem:$0x11080] =	vst v63  }
0xb5: {  	s7 =	simm.s32 $0xA080  }
0xb6: {  	[tilespmem:s7], [sflag:$0x1] =	stream.indirect_vreg.gather [hbm4b:s11+s4], $0x80, v4, vm0, $0xb8;
	[tilespmem:$0x11080] =	vst v63  }
0xb7: {  	s28 =	simm.s32 $0xA880  }
0xb8: {  	[tilespmem:s28], [sflag:$0x1] =	stream.indirect_vreg.gather [hbm4b:s12+s4], $0x80, v4, vm0, $0xb8;
	[tilespmem:$0x11080] =	vst v63  }
0xb9: {  	s5 =	simm.s32 $0xB080  }
0xba: {  	[tilespmem:s5], [sflag:$0x1] =	stream.indirect_vreg.gather [hbm4b:s13+s4], $0x80, v4, vm0, $0xb8;
	[tilespmem:$0x11080] =	vst v63  }
0xbb: {  	s7 =	simm.s32 $0xB880  }
0xbc: {  	[tilespmem:s7], [sflag:$0x1] =	stream.indirect_vreg.gather [hbm4b:s14+s4], $0x80, v4, vm0, $0xb8;
	[tilespmem:$0x11080] =	vst v63  }
0xbd: {  	s28 =	simm.s32 $0xC080  }
0xbe: {  	[tilespmem:s28], [sflag:$0x1] =	stream.indirect_vreg.gather [hbm4b:s15+s4], $0x80, v4, vm0, $0xb8;
	[tilespmem:$0x11080] =	vst v63  }
0xbf: {  	_ =	swait.ge [sflag:s29], $0x4800  }
0xc0: {  	[sflag:s29] =	ssyncset.done $0x0  }
0xc1: {  	[sflag:s29] =	ssyncadd.s32 $0xFFFFB800  }
.LBB2_8:
0xc2: {  	s28 =	sxor.u32 s6, s26  }
0xc3: {  	p3 =	seq.s32 s28, $0x1  }
0xc4: {  	p2 =	por !p2, !p3  }
0xc5: {  	p2 =	por !p2, !p2  }
.Ltmp8:
0xc6: {  	_ = 	snop;
	(pc) =	sbr.rel @!p2 .LBB2_14-.Ltmp8, $1  }
0xc7: {  	_ =	sdelay $0x3  }
0xc8: {  	p3 =	slt.s32 s31, $0x1  }
.Ltmp9:
0xc9: {  	_ = 	snop;
	(pc) =	sbr.rel @p3 .LBB2_13-.Ltmp9, $1  }
0xca: {  	_ =	sdelay $0x3  }
0xcb: {  	p3 =	sne.s32 s31, $0x1  }
.Ltmp10:
0xcc: {  	_ = 	snop;
	(pc) =	sbr.rel @!p3 .LBB2_12-.Ltmp10, $3  }
0xcd: {  	_ =	sdelay $0x1  }
0xce: {  	_ =	swait.ge [sflag:s25], $0x4800  }
0xcf: {  	s2 =	sadd.s32 $0xFFFFFFFF, s31;
	[sflag:s25] =	ssyncset.done $0x0  }
.LBB2_11:
0xd0: {  	p3 =	sne.s32 s2, $0x1;
	s2 =	sadd.s32 $0xFFFFFFFF, s2;
	[sflag:s25] =	ssyncadd.s32 $0xFFFFB800  }
.Ltmp11:
0xd1: {  	(pc) =	sbr.rel @p3 .LBB2_11-.Ltmp11, $3  }
0xd2: {  	_ =	sdelay $0x1  }
0xd3: {  	_ =	swait.ge [sflag:s25], $0x4800  }
0xd4: {  	[sflag:s25] =	ssyncset.done $0x0  }
.Ltmp12:
0xd5: {  	_ = 	snop;
	(pc) =	sbr.rel .LBB2_12-.Ltmp12, $1  }
0xd6: {  	_ =	sdelay $0x3  }
.LBB2_15:
0xd7: {  	p0 =	slt.s32 s24, $0x1  }
.Ltmp13:
0xd8: {  	_ = 	snop;
	(pc) =	sbr.rel @p0 .LBB2_19-.Ltmp13, $1  }
0xd9: {  	_ =	sdelay $0x3  }
0xda: {  	s0 =	sadd.s32 s5, s2  }
0xdb: {  	p0 =	seq.s32 s0, $0x1  }
.Ltmp14:
0xdc: {  	_ = 	snop;
	(pc) =	sbr.rel @p0 .LBB2_18-.Ltmp14, $3  }
0xdd: {  	_ =	sdelay $0x1  }
0xde: {  	_ =	swait.ge [sflag:s30], $0x4800  }
0xdf: {  	s0 =	sadd.s32 $0xFFFFFFFF, s0;
	[sflag:s30] =	ssyncset.done $0x0  }
.LBB2_17:
0xe0: {  	p0 =	seq.s32 s0, $0x1;
	s0 =	sadd.s32 $0xFFFFFFFF, s0;
	[sflag:s30] =	ssyncadd.s32 $0xFFFFB800  }
.Ltmp15:
0xe1: {  	(pc) =	sbr.rel @!p0 .LBB2_17-.Ltmp15, $3  }
0xe2: {  	_ =	sdelay $0x1  }
0xe3: {  	_ =	swait.ge [sflag:s30], $0x4800  }
0xe4: {  	[sflag:s30] =	ssyncset.done $0x0  }
.LBB2_18:
0xe5: {  	[sflag:s30] =	ssyncadd.s32 $0xFFFFB800  }
.LBB2_19:
0xe6: {  	p0 =	slt.s32 s31, $0x1  }
.Ltmp16:
0xe7: {  	_ = 	snop;
	(pc) =	sbr.rel @p0 .LBB2_23-.Ltmp16, $2  }
0xe8: {  	_ =	sdelay $0x2  }
0xe9: {  	s2 =	rddreg [dreg:$0x8]  }
0xea: {  	s0 =	sadd.s32 s7, s6  }
0xeb: {  	p0 =	sne.s32 s0, $0x1  }
.Ltmp17:
0xec: {  	_ = 	snop;
	(pc) =	sbr.rel @!p0 .LBB2_22-.Ltmp17, $3  }
0xed: {  	_ =	sdelay $0x1  }
0xee: {  	_ =	swait.ge [sflag:s25], $0x4800  }
0xef: {  	s0 =	sadd.s32 $0xFFFFFFFF, s0;
	[sflag:s25] =	ssyncset.done $0x0  }
.LBB2_21:
0xf0: {  	p0 =	sne.s32 s0, $0x1;
	s0 =	sadd.s32 $0xFFFFFFFF, s0;
	[sflag:s25] =	ssyncadd.s32 $0xFFFFB800  }
.Ltmp18:
0xf1: {  	(pc) =	sbr.rel @p0 .LBB2_21-.Ltmp18, $3  }
0xf2: {  	_ =	sdelay $0x1  }
0xf3: {  	_ =	swait.ge [sflag:s25], $0x4800  }
0xf4: {  	[sflag:s25] =	ssyncset.done $0x0  }
.Ltmp19:
0xf5: {  	_ = 	snop;
	(pc) =	sbr.rel .LBB2_22-.Ltmp19, $1  }
0xf6: {  	_ =	sdelay $0x3  }
.LBB2_24:
0xf7: {  	_ =	sfence.sel $0x180000  }
0xf8: {  	[bflag:$0x0] =	sbarrier.arrive $0xFFFF  }
0xf9: {  	_ =	strace $0x90000047  }
0xfa: {  	s0 =	stileid.u32;
	[bflag:$0x2] =	sbarrier.arrive $0xFFFF  }
0xfb: {  	p0 =	sne.s32 s0, $0x0;
	s0 =	rddreg [dreg:$0x3]  }
0xfc: {  	s0 =	sadd.s32 @!p0 $0x100000, s0  }
0xfd: {  	[sflag:s0] =	ssyncadd.tile.s32 @!p0 $0x1;
	_ =	shalt  }
.Lfunc_end2:
_tile_overlayer_lowered:
.L_overlay_start_2:
0xfe: {  	(tag) =	ssettag $0x2  }
0xff: {  	s0 =	rddreg [dreg:$0x0];
	s2 =	stileid.u32  }
0x100: {  	s1 =	rddreg [dreg:$0x1];
	p0 =	sne.s32 s2, $0x0  }
0x101: {  	s3 =	rddreg [dreg:$0x2];
	[bflag:$0x3] =	sbarrier.arrive $0xFFFF;
	s2 =	simm.s32 @!p0 $0x1C04  }
0x102: {  	[timem:s3], [sflag:s2] =	dma.local @!p0 [hbm:s0], s1  }
0x103: {  	s0 =	simm.s32 @!p0 $0x4  }
0x104: {  	_ =	swait.ge @!p0 [sflag:s0], s1  }
0x105: {  	s1 =	ssub.s32 @!p0 $0x0, s1;
	[sflag:s0] =	ssyncset.done @!p0 $0x0  }
0x106: {  	[sflag:s0] =	ssyncadd.s32 @!p0 s1  }
0x107: {  	[bflag:$0x3] =	sbarrier.arrive $0xFFFF  }
0x108: {  	_ =	shalt  }

</sc_bundles>
